<compile_context>
chip_gen: v7x
topology: tpu7x:2x2x1
jax: 0.10.2.dev20260603
libtpu: 0.0.44.dev20260713+nightly
codegen_flags: <defaults>
</compile_context>

<pallas_src>
import functools

import jax
import jax.numpy as jnp
from jax import lax
from jax.experimental import pallas as pl
from jax.experimental.pallas import tpu as pltpu
from jax.experimental.pallas import tpu_sc as plsc

T, D, F, E, K = 32, 1024, 704, 64, 8


def _combine_sc(se_hbm, rw_hbm, out_hbm, se_v, rw_v, row_v):
    wid = lax.axis_index("s") * 2 + lax.axis_index("c")
    pltpu.sync_copy(se_hbm, se_v)
    pltpu.sync_copy(rw_hbm, rw_v)
    for j in range(2):
        e = wid * 2 + j
        for half in range(2):
            acc = jnp.zeros((16,), jnp.float32)
            for k in range(K):
                sev = se_v[k, pl.ds(half * 16, 16)]
                rwv = rw_v[k, pl.ds(half * 16, 16)]
                acc = acc + jnp.where(sev == e, rwv, 0.0)
            row_v[pl.ds(half * 16, 16)] = acc
        pltpu.sync_copy(row_v, out_hbm.at[e])


def _moe_kernel(cw_ref, s0_ref, s1_ref, s2_ref, x_ref,
                w0_ref, w1_ref, w2t_ref, o_ref):
    e = pl.program_id(0)
    x = x_ref[...].astype(jnp.bfloat16)
    dn_t = (((1,), (1,)), ((), ()))
    dn_n = (((1,), (0,)), ((), ()))
    w0e = w0_ref[0].astype(jnp.bfloat16)
    w1e = w1_ref[0].astype(jnp.bfloat16)
    w2e = w2t_ref[0].astype(jnp.bfloat16)
    g = jax.lax.dot_general(x, w0e, dn_t, preferred_element_type=jnp.float32)
    g = g * s0_ref[e]
    u = jax.lax.dot_general(x, w1e, dn_t, preferred_element_type=jnp.float32)
    h = ((g * jax.nn.sigmoid(g)) * u).astype(jnp.bfloat16)
    y = jax.lax.dot_general(h, w2e, dn_n, preferred_element_type=jnp.float32)
    cw = cw_ref[0]
    contrib = y * (cw * (s1_ref[e] * s2_ref[e]))

    @pl.when(e == 0)
    def _():
        o_ref[...] = contrib

    @pl.when(e != 0)
    def _():
        o_ref[...] += contrib


def kernel(x, w0, w1, w2, s0, s1, s2, selected_experts, routing_weights,
           gathered_experts_out_buf, select_experts_middle, routing_weights_middle,
           gather_buffer, scatter_buffer, use_ppl):
    se_t = jnp.swapaxes(selected_experts.astype(jnp.int32), 0, 1)
    rw_t = jnp.swapaxes(routing_weights, 0, 1)
    w2t = jnp.swapaxes(w2, 1, 2)

    mesh = plsc.VectorSubcoreMesh(core_axis_name="c", subcore_axis_name="s")
    combT = functools.partial(
        pl.kernel, mesh=mesh,
        out_type=jax.ShapeDtypeStruct((E, T), jnp.float32),
        scratch_types=[
            pltpu.VMEM((K, T), jnp.int32),
            pltpu.VMEM((K, T), jnp.float32),
            pltpu.VMEM((T,), jnp.float32),
        ],
    )(_combine_sc)(se_t, rw_t)
    cw3 = combT.reshape(E, T, 1)

    out = pl.pallas_call(
        _moe_kernel,
        grid=(E,),
        in_specs=[
            pl.BlockSpec((1, T, 1), lambda e: (e, 0, 0)),
            pl.BlockSpec(memory_space=pltpu.SMEM),
            pl.BlockSpec(memory_space=pltpu.SMEM),
            pl.BlockSpec(memory_space=pltpu.SMEM),
            pl.BlockSpec((T, D), lambda e: (0, 0)),
            pl.BlockSpec((1, F, D), lambda e: (e, 0, 0)),
            pl.BlockSpec((1, F, D), lambda e: (e, 0, 0)),
            pl.BlockSpec((1, F, D), lambda e: (e, 0, 0)),
        ],
        out_specs=pl.BlockSpec((T, D), lambda e: (0, 0)),
        out_shape=jax.ShapeDtypeStruct((T, D), jnp.float32),
    )(cw3, s0, s1, s2, x, w0, w1, w2t)
    return out

# --- scband reference (transcript-rebuilt; emitter-appended) ---
"""Pipeline reference for scband-deepseek-mo-eblock-84232898609560 (READ-ONLY COPY).

The authoritative reference and input builder live on the scoring server;
editing this copy changes nothing except your own understanding.
"""

import jax, jax.numpy as jnp
import numpy as np

T, D, F, E, K = 32, 1024, 704, 64, 8


def setup_inputs(seed: int = 0) -> dict:
    key = jax.random.key(seed)
    ks = jax.random.split(key, 8)
    x = jax.random.normal(ks[0], (T, D), dtype=jnp.float32)
    w0 = jax.random.normal(ks[1], (E, F, D), dtype=jnp.float32) * 0.02
    w1 = jax.random.normal(ks[2], (E, F, D), dtype=jnp.float32) * 0.02
    w2 = jax.random.normal(ks[3], (E, D, F), dtype=jnp.float32) * 0.02
    s0 = jnp.ones((E,), dtype=jnp.float32)
    s1 = jnp.ones((E,), dtype=jnp.float32)
    s2 = jnp.ones((E,), dtype=jnp.float32)
    selected_experts = jax.random.randint(ks[4], (T, K), 0, E, dtype=jnp.int64)
    routing_weights = jax.random.uniform(ks[5], (T, K), dtype=jnp.float32)
    routing_weights = routing_weights / jnp.sum(routing_weights, axis=-1, keepdims=True)
    gathered_experts_out_buf = jnp.zeros((T, D), dtype=jnp.float32)
    select_experts_middle = jnp.zeros((T, K), dtype=jnp.int32)
    routing_weights_middle = jnp.zeros((T, K), dtype=jnp.float32)
    gather_buffer = jnp.zeros((T * K, D), dtype=jnp.float32)
    scatter_buffer = jnp.zeros((T * K, D), dtype=jnp.float32)
    return {
        'x': x, 'w0': w0, 'w1': w1, 'w2': w2,
        's0': s0, 's1': s1, 's2': s2,
        'selected_experts': selected_experts,
        'routing_weights': routing_weights,
        'gathered_experts_out_buf': gathered_experts_out_buf,
        'select_experts_middle': select_experts_middle,
        'routing_weights_middle': routing_weights_middle,
        'gather_buffer': gather_buffer,
        'scatter_buffer': scatter_buffer,
        'use_ppl': 1,
    }


def reference(x, w0, w1, w2, s0, s1, s2, selected_experts, routing_weights,
              gathered_experts_out_buf, select_experts_middle, routing_weights_middle,
              gather_buffer, scatter_buffer, use_ppl):
    # Faithful math of the fused MoE expert kernel:
    # per-expert SwiGLU FFN (gate=w0, up=w1, down=w2) with dequant scales s0/s1/s2,
    # combined by the externally-provided top-k routing weights.
    def expert_ffn(w0e, w1e, w2e, s0e, s1e, s2e):
        g = (x @ w0e.T) * s0e            # [T, F]
        u = (x @ w1e.T) * s1e            # [T, F]
        h = jax.nn.silu(g) * u           # [T, F]
        return (h @ w2e.T) * s2e         # [T, D]

    expert_out = jax.vmap(expert_ffn)(w0, w1, w2, s0, s1, s2)   # [E, T, D]
    onehot = jax.nn.one_hot(selected_experts, E, dtype=x.dtype)  # [T, K, E]
    combine = jnp.einsum('tk,tke->te', routing_weights, onehot)  # [T, E]
    out = jnp.einsum('etd,te->td', expert_out, combine)          # [T, D]
    return out

if __name__ == "__main__":
    import jax
    _d = setup_inputs()
    print(jax.jit(kernel)(*tuple(_d.values())))

</pallas_src>

<mosaic_0001>
#map = affine_map<(d0, d1) -> (0, 0)>
module attributes {stable_mosaic.version = 14 : i64} {
  func.func @_combine_sc(%arg0: i32, %arg1: i32, %arg2: memref<8x32xi32, #tpu.memory_space<hbm>>, %arg3: memref<8x32xf32, #tpu.memory_space<hbm>>, %arg4: memref<64x32xf32, #tpu.memory_space<hbm>>, %arg5: memref<8x32xi32, #tpu.memory_space<vmem>>, %arg6: memref<8x32xf32, #tpu.memory_space<vmem>>, %arg7: memref<32xf32, #tpu.memory_space<vmem>>) attributes {dimension_semantics = [#tpu.dimension_semantics<core_parallel>, #tpu.dimension_semantics<subcore_parallel>], iteration_bounds = array<i64: 2, 16>, scalar_prefetch = 0 : i64, scratch_operands = 3 : i64, tpu.core_type = #tpu.core_type<sc_vector_subcore>, window_params = [{transform_indices = #map}, {transform_indices = #map}, {transform_indices = #map}]} {
    %mul3A = arith.constant 2 : i32
    %mul3A_0 = arith.muli %arg1, %mul3A : i32
    %add3A = arith.addi %mul3A_0, %arg0 : i32
    "tpu.region"() ({
      %run_scoped3A = tpu.sem_alloc : memref<!tpu.dma_semaphore, #tpu.memory_space<semaphore_mem>>
      tpu.enqueue_dma source(%arg2 : memref<8x32xi32, #tpu.memory_space<hbm>>) target(%arg5 : memref<8x32xi32, #tpu.memory_space<vmem>>) target_semaphore(%run_scoped3A : memref<!tpu.dma_semaphore, #tpu.memory_space<semaphore_mem>>)
      tpu.wait_dma2 semaphore(%run_scoped3A : memref<!tpu.dma_semaphore, #tpu.memory_space<semaphore_mem>>) src(%arg2 : memref<8x32xi32, #tpu.memory_space<hbm>>) dst(%arg5 : memref<8x32xi32, #tpu.memory_space<vmem>>)
      tpu.yield
    }) : () -> ()
    "tpu.region"() ({
      %run_scoped3A = tpu.sem_alloc : memref<!tpu.dma_semaphore, #tpu.memory_space<semaphore_mem>>
      tpu.enqueue_dma source(%arg3 : memref<8x32xf32, #tpu.memory_space<hbm>>) target(%arg6 : memref<8x32xf32, #tpu.memory_space<vmem>>) target_semaphore(%run_scoped3A : memref<!tpu.dma_semaphore, #tpu.memory_space<semaphore_mem>>)
      tpu.wait_dma2 semaphore(%run_scoped3A : memref<!tpu.dma_semaphore, #tpu.memory_space<semaphore_mem>>) src(%arg3 : memref<8x32xf32, #tpu.memory_space<hbm>>) dst(%arg6 : memref<8x32xf32, #tpu.memory_space<vmem>>)
      tpu.yield
    }) : () -> ()
    %mul3A_1 = arith.constant 2 : i32
    %mul3A_2 = arith.muli %add3A, %mul3A_1 : i32
    %add3A_3 = arith.constant 0 : i32
    %add3A_4 = arith.addi %mul3A_2, %add3A_3 : i32
    %broadcast_in_dim3A = arith.constant 0.000000e+00 : f32
    %broadcast_in_dim3A_5 = vector.broadcast %broadcast_in_dim3A : f32 to vector<16xf32>
    %get3A = arith.constant 0 : i32
    %get3A_6 = arith.index_cast %get3A : i32 to index
    %get3A_7 = arith.constant 0 : index
    %get3A_8 = tpu.vector_load %arg5[%get3A_6, %get3A_7] {strides = array<i32>} : memref<8x32xi32, #tpu.memory_space<vmem>>, vector<1x16xi32>,
    %get3A_9 = vector.shape_cast %get3A_8 : vector<1x16xi32> to vector<16xi32>
    %get3A_10 = arith.constant 0 : i32
    %get3A_11 = arith.index_cast %get3A_10 : i32 to index
    %get3A_12 = arith.constant 0 : index
    %get3A_13 = tpu.vector_load %arg6[%get3A_11, %get3A_12] {strides = array<i32>} : memref<8x32xf32, #tpu.memory_space<vmem>>, vector<1x16xf32>,
    %get3A_14 = vector.shape_cast %get3A_13 : vector<1x16xf32> to vector<16xf32>
    %eq3A = vector.broadcast %add3A_4 : i32 to vector<16xi32>
    %eq3A_15 = arith.cmpi eq, %get3A_9, %eq3A : vector<16xi32>
    %jit3A = arith.constant 0.000000e+00 : f32
    %broadcast_in_dim3A_16 = vector.broadcast %jit3A : f32 to vector<16xf32>
    %select_n3A = arith.select %eq3A_15, %get3A_14, %broadcast_in_dim3A_16 : vector<16xi1>, vector<16xf32>
    %add3A_17 = arith.addf %broadcast_in_dim3A_5, %select_n3A : vector<16xf32>
    %get3A_18 = arith.constant 1 : i32
    %get3A_19 = arith.index_cast %get3A_18 : i32 to index
    %get3A_20 = arith.constant 0 : index
    %get3A_21 = tpu.vector_load %arg5[%get3A_19, %get3A_20] {strides = array<i32>} : memref<8x32xi32, #tpu.memory_space<vmem>>, vector<1x16xi32>,
    %get3A_22 = vector.shape_cast %get3A_21 : vector<1x16xi32> to vector<16xi32>
    %get3A_23 = arith.constant 1 : i32
    %get3A_24 = arith.index_cast %get3A_23 : i32 to index
    %get3A_25 = arith.constant 0 : index
    %get3A_26 = tpu.vector_load %arg6[%get3A_24, %get3A_25] {strides = array<i32>} : memref<8x32xf32, #tpu.memory_space<vmem>>, vector<1x16xf32>,
    %get3A_27 = vector.shape_cast %get3A_26 : vector<1x16xf32> to vector<16xf32>
    %eq3A_28 = vector.broadcast %add3A_4 : i32 to vector<16xi32>
    %eq3A_29 = arith.cmpi eq, %get3A_22, %eq3A_28 : vector<16xi32>
    %jit3A_30 = arith.constant 0.000000e+00 : f32
    %broadcast_in_dim3A_31 = vector.broadcast %jit3A_30 : f32 to vector<16xf32>
    %select_n3A_32 = arith.select %eq3A_29, %get3A_27, %broadcast_in_dim3A_31 : vector<16xi1>, vector<16xf32>
    %add3A_33 = arith.addf %add3A_17, %select_n3A_32 : vector<16xf32>
    %get3A_34 = arith.constant 2 : i32
    %get3A_35 = arith.index_cast %get3A_34 : i32 to index
    %get3A_36 = arith.constant 0 : index
    %get3A_37 = tpu.vector_load %arg5[%get3A_35, %get3A_36] {strides = array<i32>} : memref<8x32xi32, #tpu.memory_space<vmem>>, vector<1x16xi32>,
    %get3A_38 = vector.shape_cast %get3A_37 : vector<1x16xi32> to vector<16xi32>
    %get3A_39 = arith.constant 2 : i32
    %get3A_40 = arith.index_cast %get3A_39 : i32 to index
    %get3A_41 = arith.constant 0 : index
    %get3A_42 = tpu.vector_load %arg6[%get3A_40, %get3A_41] {strides = array<i32>} : memref<8x32xf32, #tpu.memory_space<vmem>>, vector<1x16xf32>,
    %get3A_43 = vector.shape_cast %get3A_42 : vector<1x16xf32> to vector<16xf32>
    %eq3A_44 = vector.broadcast %add3A_4 : i32 to vector<16xi32>
    %eq3A_45 = arith.cmpi eq, %get3A_38, %eq3A_44 : vector<16xi32>
    %jit3A_46 = arith.constant 0.000000e+00 : f32
    %broadcast_in_dim3A_47 = vector.broadcast %jit3A_46 : f32 to vector<16xf32>
    %select_n3A_48 = arith.select %eq3A_45, %get3A_43, %broadcast_in_dim3A_47 : vector<16xi1>, vector<16xf32>
    %add3A_49 = arith.addf %add3A_33, %select_n3A_48 : vector<16xf32>
    %get3A_50 = arith.constant 3 : i32
    %get3A_51 = arith.index_cast %get3A_50 : i32 to index
    %get3A_52 = arith.constant 0 : index
    %get3A_53 = tpu.vector_load %arg5[%get3A_51, %get3A_52] {strides = array<i32>} : memref<8x32xi32, #tpu.memory_space<vmem>>, vector<1x16xi32>,
    %get3A_54 = vector.shape_cast %get3A_53 : vector<1x16xi32> to vector<16xi32>
    %get3A_55 = arith.constant 3 : i32
    %get3A_56 = arith.index_cast %get3A_55 : i32 to index
    %get3A_57 = arith.constant 0 : index
    %get3A_58 = tpu.vector_load %arg6[%get3A_56, %get3A_57] {strides = array<i32>} : memref<8x32xf32, #tpu.memory_space<vmem>>, vector<1x16xf32>,
    %get3A_59 = vector.shape_cast %get3A_58 : vector<1x16xf32> to vector<16xf32>
    %eq3A_60 = vector.broadcast %add3A_4 : i32 to vector<16xi32>
    %eq3A_61 = arith.cmpi eq, %get3A_54, %eq3A_60 : vector<16xi32>
    %jit3A_62 = arith.constant 0.000000e+00 : f32
    %broadcast_in_dim3A_63 = vector.broadcast %jit3A_62 : f32 to vector<16xf32>
    %select_n3A_64 = arith.select %eq3A_61, %get3A_59, %broadcast_in_dim3A_63 : vector<16xi1>, vector<16xf32>
    %add3A_65 = arith.addf %add3A_49, %select_n3A_64 : vector<16xf32>
    %get3A_66 = arith.constant 4 : i32
    %get3A_67 = arith.index_cast %get3A_66 : i32 to index
    %get3A_68 = arith.constant 0 : index
    %get3A_69 = tpu.vector_load %arg5[%get3A_67, %get3A_68] {strides = array<i32>} : memref<8x32xi32, #tpu.memory_space<vmem>>, vector<1x16xi32>,
    %get3A_70 = vector.shape_cast %get3A_69 : vector<1x16xi32> to vector<16xi32>
    %get3A_71 = arith.constant 4 : i32
    %get3A_72 = arith.index_cast %get3A_71 : i32 to index
    %get3A_73 = arith.constant 0 : index
    %get3A_74 = tpu.vector_load %arg6[%get3A_72, %get3A_73] {strides = array<i32>} : memref<8x32xf32, #tpu.memory_space<vmem>>, vector<1x16xf32>,
    %get3A_75 = vector.shape_cast %get3A_74 : vector<1x16xf32> to vector<16xf32>
    %eq3A_76 = vector.broadcast %add3A_4 : i32 to vector<16xi32>
    %eq3A_77 = arith.cmpi eq, %get3A_70, %eq3A_76 : vector<16xi32>
    %jit3A_78 = arith.constant 0.000000e+00 : f32
    %broadcast_in_dim3A_79 = vector.broadcast %jit3A_78 : f32 to vector<16xf32>
    %select_n3A_80 = arith.select %eq3A_77, %get3A_75, %broadcast_in_dim3A_79 : vector<16xi1>, vector<16xf32>
    %add3A_81 = arith.addf %add3A_65, %select_n3A_80 : vector<16xf32>
    %get3A_82 = arith.constant 5 : i32
    %get3A_83 = arith.index_cast %get3A_82 : i32 to index
    %get3A_84 = arith.constant 0 : index
    %get3A_85 = tpu.vector_load %arg5[%get3A_83, %get3A_84] {strides = array<i32>} : memref<8x32xi32, #tpu.memory_space<vmem>>, vector<1x16xi32>,
    %get3A_86 = vector.shape_cast %get3A_85 : vector<1x16xi32> to vector<16xi32>
    %get3A_87 = arith.constant 5 : i32
    %get3A_88 = arith.index_cast %get3A_87 : i32 to index
    %get3A_89 = arith.constant 0 : index
    %get3A_90 = tpu.vector_load %arg6[%get3A_88, %get3A_89] {strides = array<i32>} : memref<8x32xf32, #tpu.memory_space<vmem>>, vector<1x16xf32>,
    %get3A_91 = vector.shape_cast %get3A_90 : vector<1x16xf32> to vector<16xf32>
    %eq3A_92 = vector.broadcast %add3A_4 : i32 to vector<16xi32>
    %eq3A_93 = arith.cmpi eq, %get3A_86, %eq3A_92 : vector<16xi32>
    %jit3A_94 = arith.constant 0.000000e+00 : f32
    %broadcast_in_dim3A_95 = vector.broadcast %jit3A_94 : f32 to vector<16xf32>
    %select_n3A_96 = arith.select %eq3A_93, %get3A_91, %broadcast_in_dim3A_95 : vector<16xi1>, vector<16xf32>
    %add3A_97 = arith.addf %add3A_81, %select_n3A_96 : vector<16xf32>
    %get3A_98 = arith.constant 6 : i32
    %get3A_99 = arith.index_cast %get3A_98 : i32 to index
    %get3A_100 = arith.constant 0 : index
    %get3A_101 = tpu.vector_load %arg5[%get3A_99, %get3A_100] {strides = array<i32>} : memref<8x32xi32, #tpu.memory_space<vmem>>, vector<1x16xi32>,
    %get3A_102 = vector.shape_cast %get3A_101 : vector<1x16xi32> to vector<16xi32>
    %get3A_103 = arith.constant 6 : i32
    %get3A_104 = arith.index_cast %get3A_103 : i32 to index
    %get3A_105 = arith.constant 0 : index
    %get3A_106 = tpu.vector_load %arg6[%get3A_104, %get3A_105] {strides = array<i32>} : memref<8x32xf32, #tpu.memory_space<vmem>>, vector<1x16xf32>,
    %get3A_107 = vector.shape_cast %get3A_106 : vector<1x16xf32> to vector<16xf32>
    %eq3A_108 = vector.broadcast %add3A_4 : i32 to vector<16xi32>
    %eq3A_109 = arith.cmpi eq, %get3A_102, %eq3A_108 : vector<16xi32>
    %jit3A_110 = arith.constant 0.000000e+00 : f32
    %broadcast_in_dim3A_111 = vector.broadcast %jit3A_110 : f32 to vector<16xf32>
    %select_n3A_112 = arith.select %eq3A_109, %get3A_107, %broadcast_in_dim3A_111 : vector<16xi1>, vector<16xf32>
    %add3A_113 = arith.addf %add3A_97, %select_n3A_112 : vector<16xf32>
    %get3A_114 = arith.constant 7 : i32
    %get3A_115 = arith.index_cast %get3A_114 : i32 to index
    %get3A_116 = arith.constant 0 : index
    %get3A_117 = tpu.vector_load %arg5[%get3A_115, %get3A_116] {strides = array<i32>} : memref<8x32xi32, #tpu.memory_space<vmem>>, vector<1x16xi32>,
    %get3A_118 = vector.shape_cast %get3A_117 : vector<1x16xi32> to vector<16xi32>
    %get3A_119 = arith.constant 7 : i32
    %get3A_120 = arith.index_cast %get3A_119 : i32 to index
    %get3A_121 = arith.constant 0 : index
    %get3A_122 = tpu.vector_load %arg6[%get3A_120, %get3A_121] {strides = array<i32>} : memref<8x32xf32, #tpu.memory_space<vmem>>, vector<1x16xf32>,
    %get3A_123 = vector.shape_cast %get3A_122 : vector<1x16xf32> to vector<16xf32>
    %eq3A_124 = vector.broadcast %add3A_4 : i32 to vector<16xi32>
    %eq3A_125 = arith.cmpi eq, %get3A_118, %eq3A_124 : vector<16xi32>
    %jit3A_126 = arith.constant 0.000000e+00 : f32
    %broadcast_in_dim3A_127 = vector.broadcast %jit3A_126 : f32 to vector<16xf32>
    %select_n3A_128 = arith.select %eq3A_125, %get3A_123, %broadcast_in_dim3A_127 : vector<16xi1>, vector<16xf32>
    %add3A_129 = arith.addf %add3A_113, %select_n3A_128 : vector<16xf32>
    %swap3A = arith.constant 0 : index
    %swap3A_130 = tpu.vector_load %arg7[%swap3A] {strides = array<i32>} : memref<32xf32, #tpu.memory_space<vmem>>, vector<16xf32>,
    %swap3A_131 = vector.shape_cast %swap3A_130 : vector<16xf32> to vector<16xf32>
    %swap3A_132 = vector.shape_cast %add3A_129 : vector<16xf32> to vector<16xf32>
    tpu.vector_store %arg7[%swap3A], %swap3A_132 {strides = array<i32>} : memref<32xf32, #tpu.memory_space<vmem>>, vector<16xf32>,
    %broadcast_in_dim3A_133 = arith.constant 0.000000e+00 : f32
    %broadcast_in_dim3A_134 = vector.broadcast %broadcast_in_dim3A_133 : f32 to vector<16xf32>
    %get3A_135 = arith.constant 0 : i32
    %get3A_136 = arith.index_cast %get3A_135 : i32 to index
    %get3A_137 = arith.constant 16 : index
    %get3A_138 = tpu.vector_load %arg5[%get3A_136, %get3A_137] {strides = array<i32>} : memref<8x32xi32, #tpu.memory_space<vmem>>, vector<1x16xi32>,
    %get3A_139 = vector.shape_cast %get3A_138 : vector<1x16xi32> to vector<16xi32>
    %get3A_140 = arith.constant 0 : i32
    %get3A_141 = arith.index_cast %get3A_140 : i32 to index
    %get3A_142 = arith.constant 16 : index
    %get3A_143 = tpu.vector_load %arg6[%get3A_141, %get3A_142] {strides = array<i32>} : memref<8x32xf32, #tpu.memory_space<vmem>>, vector<1x16xf32>,
    %get3A_144 = vector.shape_cast %get3A_143 : vector<1x16xf32> to vector<16xf32>
    %eq3A_145 = vector.broadcast %add3A_4 : i32 to vector<16xi32>
    %eq3A_146 = arith.cmpi eq, %get3A_139, %eq3A_145 : vector<16xi32>
    %jit3A_147 = arith.constant 0.000000e+00 : f32
    %broadcast_in_dim3A_148 = vector.broadcast %jit3A_147 : f32 to vector<16xf32>
    %select_n3A_149 = arith.select %eq3A_146, %get3A_144, %broadcast_in_dim3A_148 : vector<16xi1>, vector<16xf32>
    %add3A_150 = arith.addf %broadcast_in_dim3A_134, %select_n3A_149 : vector<16xf32>
    %get3A_151 = arith.constant 1 : i32
    %get3A_152 = arith.index_cast %get3A_151 : i32 to index
    %get3A_153 = arith.constant 16 : index
    %get3A_154 = tpu.vector_load %arg5[%get3A_152, %get3A_153] {strides = array<i32>} : memref<8x32xi32, #tpu.memory_space<vmem>>, vector<1x16xi32>,
    %get3A_155 = vector.shape_cast %get3A_154 : vector<1x16xi32> to vector<16xi32>
    %get3A_156 = arith.constant 1 : i32
    %get3A_157 = arith.index_cast %get3A_156 : i32 to index
    %get3A_158 = arith.constant 16 : index
    %get3A_159 = tpu.vector_load %arg6[%get3A_157, %get3A_158] {strides = array<i32>} : memref<8x32xf32, #tpu.memory_space<vmem>>, vector<1x16xf32>,
    %get3A_160 = vector.shape_cast %get3A_159 : vector<1x16xf32> to vector<16xf32>
    %eq3A_161 = vector.broadcast %add3A_4 : i32 to vector<16xi32>
    %eq3A_162 = arith.cmpi eq, %get3A_155, %eq3A_161 : vector<16xi32>
    %jit3A_163 = arith.constant 0.000000e+00 : f32
    %broadcast_in_dim3A_164 = vector.broadcast %jit3A_163 : f32 to vector<16xf32>
    %select_n3A_165 = arith.select %eq3A_162, %get3A_160, %broadcast_in_dim3A_164 : vector<16xi1>, vector<16xf32>
    %add3A_166 = arith.addf %add3A_150, %select_n3A_165 : vector<16xf32>
    %get3A_167 = arith.constant 2 : i32
    %get3A_168 = arith.index_cast %get3A_167 : i32 to index
    %get3A_169 = arith.constant 16 : index
    %get3A_170 = tpu.vector_load %arg5[%get3A_168, %get3A_169] {strides = array<i32>} : memref<8x32xi32, #tpu.memory_space<vmem>>, vector<1x16xi32>,
    %get3A_171 = vector.shape_cast %get3A_170 : vector<1x16xi32> to vector<16xi32>
    %get3A_172 = arith.constant 2 : i32
    %get3A_173 = arith.index_cast %get3A_172 : i32 to index
    %get3A_174 = arith.constant 16 : index
    %get3A_175 = tpu.vector_load %arg6[%get3A_173, %get3A_174] {strides = array<i32>} : memref<8x32xf32, #tpu.memory_space<vmem>>, vector<1x16xf32>,
    %get3A_176 = vector.shape_cast %get3A_175 : vector<1x16xf32> to vector<16xf32>
    %eq3A_177 = vector.broadcast %add3A_4 : i32 to vector<16xi32>
    %eq3A_178 = arith.cmpi eq, %get3A_171, %eq3A_177 : vector<16xi32>
    %jit3A_179 = arith.constant 0.000000e+00 : f32
    %broadcast_in_dim3A_180 = vector.broadcast %jit3A_179 : f32 to vector<16xf32>
    %select_n3A_181 = arith.select %eq3A_178, %get3A_176, %broadcast_in_dim3A_180 : vector<16xi1>, vector<16xf32>
    %add3A_182 = arith.addf %add3A_166, %select_n3A_181 : vector<16xf32>
    %get3A_183 = arith.constant 3 : i32
    %get3A_184 = arith.index_cast %get3A_183 : i32 to index
    %get3A_185 = arith.constant 16 : index
    %get3A_186 = tpu.vector_load %arg5[%get3A_184, %get3A_185] {strides = array<i32>} : memref<8x32xi32, #tpu.memory_space<vmem>>, vector<1x16xi32>,
    %get3A_187 = vector.shape_cast %get3A_186 : vector<1x16xi32> to vector<16xi32>
    %get3A_188 = arith.constant 3 : i32
    %get3A_189 = arith.index_cast %get3A_188 : i32 to index
    %get3A_190 = arith.constant 16 : index
    %get3A_191 = tpu.vector_load %arg6[%get3A_189, %get3A_190] {strides = array<i32>} : memref<8x32xf32, #tpu.memory_space<vmem>>, vector<1x16xf32>,
    %get3A_192 = vector.shape_cast %get3A_191 : vector<1x16xf32> to vector<16xf32>
    %eq3A_193 = vector.broadcast %add3A_4 : i32 to vector<16xi32>
    %eq3A_194 = arith.cmpi eq, %get3A_187, %eq3A_193 : vector<16xi32>
    %jit3A_195 = arith.constant 0.000000e+00 : f32
    %broadcast_in_dim3A_196 = vector.broadcast %jit3A_195 : f32 to vector<16xf32>
    %select_n3A_197 = arith.select %eq3A_194, %get3A_192, %broadcast_in_dim3A_196 : vector<16xi1>, vector<16xf32>
    %add3A_198 = arith.addf %add3A_182, %select_n3A_197 : vector<16xf32>
    %get3A_199 = arith.constant 4 : i32
    %get3A_200 = arith.index_cast %get3A_199 : i32 to index
    %get3A_201 = arith.constant 16 : index
    %get3A_202 = tpu.vector_load %arg5[%get3A_200, %get3A_201] {strides = array<i32>} : memref<8x32xi32, #tpu.memory_space<vmem>>, vector<1x16xi32>,
    %get3A_203 = vector.shape_cast %get3A_202 : vector<1x16xi32> to vector<16xi32>
    %get3A_204 = arith.constant 4 : i32
    %get3A_205 = arith.index_cast %get3A_204 : i32 to index
    %get3A_206 = arith.constant 16 : index
    %get3A_207 = tpu.vector_load %arg6[%get3A_205, %get3A_206] {strides = array<i32>} : memref<8x32xf32, #tpu.memory_space<vmem>>, vector<1x16xf32>,
    %get3A_208 = vector.shape_cast %get3A_207 : vector<1x16xf32> to vector<16xf32>
    %eq3A_209 = vector.broadcast %add3A_4 : i32 to vector<16xi32>
    %eq3A_210 = arith.cmpi eq, %get3A_203, %eq3A_209 : vector<16xi32>
    %jit3A_211 = arith.constant 0.000000e+00 : f32
    %broadcast_in_dim3A_212 = vector.broadcast %jit3A_211 : f32 to vector<16xf32>
    %select_n3A_213 = arith.select %eq3A_210, %get3A_208, %broadcast_in_dim3A_212 : vector<16xi1>, vector<16xf32>
    %add3A_214 = arith.addf %add3A_198, %select_n3A_213 : vector<16xf32>
    %get3A_215 = arith.constant 5 : i32
    %get3A_216 = arith.index_cast %get3A_215 : i32 to index
    %get3A_217 = arith.constant 16 : index
    %get3A_218 = tpu.vector_load %arg5[%get3A_216, %get3A_217] {strides = array<i32>} : memref<8x32xi32, #tpu.memory_space<vmem>>, vector<1x16xi32>,
    %get3A_219 = vector.shape_cast %get3A_218 : vector<1x16xi32> to vector<16xi32>
    %get3A_220 = arith.constant 5 : i32
    %get3A_221 = arith.index_cast %get3A_220 : i32 to index
    %get3A_222 = arith.constant 16 : index
    %get3A_223 = tpu.vector_load %arg6[%get3A_221, %get3A_222] {strides = array<i32>} : memref<8x32xf32, #tpu.memory_space<vmem>>, vector<1x16xf32>,
    %get3A_224 = vector.shape_cast %get3A_223 : vector<1x16xf32> to vector<16xf32>
    %eq3A_225 = vector.broadcast %add3A_4 : i32 to vector<16xi32>
    %eq3A_226 = arith.cmpi eq, %get3A_219, %eq3A_225 : vector<16xi32>
    %jit3A_227 = arith.constant 0.000000e+00 : f32
    %broadcast_in_dim3A_228 = vector.broadcast %jit3A_227 : f32 to vector<16xf32>
    %select_n3A_229 = arith.select %eq3A_226, %get3A_224, %broadcast_in_dim3A_228 : vector<16xi1>, vector<16xf32>
    %add3A_230 = arith.addf %add3A_214, %select_n3A_229 : vector<16xf32>
    %get3A_231 = arith.constant 6 : i32
    %get3A_232 = arith.index_cast %get3A_231 : i32 to index
    %get3A_233 = arith.constant 16 : index
    %get3A_234 = tpu.vector_load %arg5[%get3A_232, %get3A_233] {strides = array<i32>} : memref<8x32xi32, #tpu.memory_space<vmem>>, vector<1x16xi32>,
    %get3A_235 = vector.shape_cast %get3A_234 : vector<1x16xi32> to vector<16xi32>
    %get3A_236 = arith.constant 6 : i32
    %get3A_237 = arith.index_cast %get3A_236 : i32 to index
    %get3A_238 = arith.constant 16 : index
    %get3A_239 = tpu.vector_load %arg6[%get3A_237, %get3A_238] {strides = array<i32>} : memref<8x32xf32, #tpu.memory_space<vmem>>, vector<1x16xf32>,
    %get3A_240 = vector.shape_cast %get3A_239 : vector<1x16xf32> to vector<16xf32>
    %eq3A_241 = vector.broadcast %add3A_4 : i32 to vector<16xi32>
    %eq3A_242 = arith.cmpi eq, %get3A_235, %eq3A_241 : vector<16xi32>
    %jit3A_243 = arith.constant 0.000000e+00 : f32
    %broadcast_in_dim3A_244 = vector.broadcast %jit3A_243 : f32 to vector<16xf32>
    %select_n3A_245 = arith.select %eq3A_242, %get3A_240, %broadcast_in_dim3A_244 : vector<16xi1>, vector<16xf32>
    %add3A_246 = arith.addf %add3A_230, %select_n3A_245 : vector<16xf32>
    %get3A_247 = arith.constant 7 : i32
    %get3A_248 = arith.index_cast %get3A_247 : i32 to index
    %get3A_249 = arith.constant 16 : index
    %get3A_250 = tpu.vector_load %arg5[%get3A_248, %get3A_249] {strides = array<i32>} : memref<8x32xi32, #tpu.memory_space<vmem>>, vector<1x16xi32>,
    %get3A_251 = vector.shape_cast %get3A_250 : vector<1x16xi32> to vector<16xi32>
    %get3A_252 = arith.constant 7 : i32
    %get3A_253 = arith.index_cast %get3A_252 : i32 to index
    %get3A_254 = arith.constant 16 : index
    %get3A_255 = tpu.vector_load %arg6[%get3A_253, %get3A_254] {strides = array<i32>} : memref<8x32xf32, #tpu.memory_space<vmem>>, vector<1x16xf32>,
    %get3A_256 = vector.shape_cast %get3A_255 : vector<1x16xf32> to vector<16xf32>
    %eq3A_257 = vector.broadcast %add3A_4 : i32 to vector<16xi32>
    %eq3A_258 = arith.cmpi eq, %get3A_251, %eq3A_257 : vector<16xi32>
    %jit3A_259 = arith.constant 0.000000e+00 : f32
    %broadcast_in_dim3A_260 = vector.broadcast %jit3A_259 : f32 to vector<16xf32>
    %select_n3A_261 = arith.select %eq3A_258, %get3A_256, %broadcast_in_dim3A_260 : vector<16xi1>, vector<16xf32>
    %add3A_262 = arith.addf %add3A_246, %select_n3A_261 : vector<16xf32>
    %swap3A_263 = arith.constant 16 : index
    %swap3A_264 = tpu.vector_load %arg7[%swap3A_263] {strides = array<i32>} : memref<32xf32, #tpu.memory_space<vmem>>, vector<16xf32>,
    %swap3A_265 = vector.shape_cast %swap3A_264 : vector<16xf32> to vector<16xf32>
    %swap3A_266 = vector.shape_cast %add3A_262 : vector<16xf32> to vector<16xf32>
    tpu.vector_store %arg7[%swap3A_263], %swap3A_266 {strides = array<i32>} : memref<32xf32, #tpu.memory_space<vmem>>, vector<16xf32>,
    "tpu.region"() ({
      %run_scoped3A = tpu.sem_alloc : memref<!tpu.dma_semaphore, #tpu.memory_space<semaphore_mem>>
      %dma_start3A = arith.constant 0 : i32
      %dma_start3A_539 = tpu.memref_slice %arg4[%add3A_4, %dma_start3A] : memref<64x32xf32, #tpu.memory_space<hbm>> -> memref<1x32xf32, #tpu.memory_space<hbm>>
      %dma_start3A_540 = tpu.memref_squeeze %dma_start3A_539 : memref<1x32xf32, #tpu.memory_space<hbm>> -> memref<32xf32, #tpu.memory_space<hbm>>
      %dma_start3A_541 = arith.constant 0 : i32
      %dma_start3A_542 = tpu.memref_slice %arg4[%add3A_4, %dma_start3A_541] : memref<64x32xf32, #tpu.memory_space<hbm>> -> memref<1x32xf32, #tpu.memory_space<hbm>>
      %dma_start3A_543 = tpu.memref_squeeze %dma_start3A_542 : memref<1x32xf32, #tpu.memory_space<hbm>> -> memref<32xf32, #tpu.memory_space<hbm>>
      tpu.enqueue_dma source(%arg7 : memref<32xf32, #tpu.memory_space<vmem>>) target(%dma_start3A_543 : memref<32xf32, #tpu.memory_space<hbm>>) target_semaphore(%run_scoped3A : memref<!tpu.dma_semaphore, #tpu.memory_space<semaphore_mem>>)
      %dma_wait3A = arith.constant 0 : i32
      %dma_wait3A_544 = tpu.memref_slice %arg4[%add3A_4, %dma_wait3A] : memref<64x32xf32, #tpu.memory_space<hbm>> -> memref<1x32xf32, #tpu.memory_space<hbm>>
      %dma_wait3A_545 = tpu.memref_squeeze %dma_wait3A_544 : memref<1x32xf32, #tpu.memory_space<hbm>> -> memref<32xf32, #tpu.memory_space<hbm>>
      %dma_wait3A_546 = arith.constant 0 : i32
      %dma_wait3A_547 = tpu.memref_slice %arg4[%add3A_4, %dma_wait3A_546] : memref<64x32xf32, #tpu.memory_space<hbm>> -> memref<1x32xf32, #tpu.memory_space<hbm>>
      %dma_wait3A_548 = tpu.memref_squeeze %dma_wait3A_547 : memref<1x32xf32, #tpu.memory_space<hbm>> -> memref<32xf32, #tpu.memory_space<hbm>>
      tpu.wait_dma2 semaphore(%run_scoped3A : memref<!tpu.dma_semaphore, #tpu.memory_space<semaphore_mem>>) src(%arg7 : memref<32xf32, #tpu.memory_space<vmem>>) dst(%dma_wait3A_548 : memref<32xf32, #tpu.memory_space<hbm>>)
      tpu.yield
    }) : () -> ()
    %mul3A_267 = arith.constant 2 : i32
    %mul3A_268 = arith.muli %add3A, %mul3A_267 : i32
    %add3A_269 = arith.constant 1 : i32
    %add3A_270 = arith.addi %mul3A_268, %add3A_269 : i32
    %broadcast_in_dim3A_271 = arith.constant 0.000000e+00 : f32
    %broadcast_in_dim3A_272 = vector.broadcast %broadcast_in_dim3A_271 : f32 to vector<16xf32>
    %get3A_273 = arith.constant 0 : i32
    %get3A_274 = arith.index_cast %get3A_273 : i32 to index
    %get3A_275 = arith.constant 0 : index
    %get3A_276 = tpu.vector_load %arg5[%get3A_274, %get3A_275] {strides = array<i32>} : memref<8x32xi32, #tpu.memory_space<vmem>>, vector<1x16xi32>,
    %get3A_277 = vector.shape_cast %get3A_276 : vector<1x16xi32> to vector<16xi32>
    %get3A_278 = arith.constant 0 : i32
    %get3A_279 = arith.index_cast %get3A_278 : i32 to index
    %get3A_280 = arith.constant 0 : index
    %get3A_281 = tpu.vector_load %arg6[%get3A_279, %get3A_280] {strides = array<i32>} : memref<8x32xf32, #tpu.memory_space<vmem>>, vector<1x16xf32>,
    %get3A_282 = vector.shape_cast %get3A_281 : vector<1x16xf32> to vector<16xf32>
    %eq3A_283 = vector.broadcast %add3A_270 : i32 to vector<16xi32>
    %eq3A_284 = arith.cmpi eq, %get3A_277, %eq3A_283 : vector<16xi32>
    %jit3A_285 = arith.constant 0.000000e+00 : f32
    %broadcast_in_dim3A_286 = vector.broadcast %jit3A_285 : f32 to vector<16xf32>
    %select_n3A_287 = arith.select %eq3A_284, %get3A_282, %broadcast_in_dim3A_286 : vector<16xi1>, vector<16xf32>
    %add3A_288 = arith.addf %broadcast_in_dim3A_272, %select_n3A_287 : vector<16xf32>
    %get3A_289 = arith.constant 1 : i32
    %get3A_290 = arith.index_cast %get3A_289 : i32 to index
    %get3A_291 = arith.constant 0 : index
    %get3A_292 = tpu.vector_load %arg5[%get3A_290, %get3A_291] {strides = array<i32>} : memref<8x32xi32, #tpu.memory_space<vmem>>, vector<1x16xi32>,
    %get3A_293 = vector.shape_cast %get3A_292 : vector<1x16xi32> to vector<16xi32>
    %get3A_294 = arith.constant 1 : i32
    %get3A_295 = arith.index_cast %get3A_294 : i32 to index
    %get3A_296 = arith.constant 0 : index
    %get3A_297 = tpu.vector_load %arg6[%get3A_295, %get3A_296] {strides = array<i32>} : memref<8x32xf32, #tpu.memory_space<vmem>>, vector<1x16xf32>,
    %get3A_298 = vector.shape_cast %get3A_297 : vector<1x16xf32> to vector<16xf32>
    %eq3A_299 = vector.broadcast %add3A_270 : i32 to vector<16xi32>
    %eq3A_300 = arith.cmpi eq, %get3A_293, %eq3A_299 : vector<16xi32>
    %jit3A_301 = arith.constant 0.000000e+00 : f32
    %broadcast_in_dim3A_302 = vector.broadcast %jit3A_301 : f32 to vector<16xf32>
    %select_n3A_303 = arith.select %eq3A_300, %get3A_298, %broadcast_in_dim3A_302 : vector<16xi1>, vector<16xf32>
    %add3A_304 = arith.addf %add3A_288, %select_n3A_303 : vector<16xf32>
    %get3A_305 = arith.constant 2 : i32
    %get3A_306 = arith.index_cast %get3A_305 : i32 to index
    %get3A_307 = arith.constant 0 : index
    %get3A_308 = tpu.vector_load %arg5[%get3A_306, %get3A_307] {strides = array<i32>} : memref<8x32xi32, #tpu.memory_space<vmem>>, vector<1x16xi32>,
    %get3A_309 = vector.shape_cast %get3A_308 : vector<1x16xi32> to vector<16xi32>
    %get3A_310 = arith.constant 2 : i32
    %get3A_311 = arith.index_cast %get3A_310 : i32 to index
    %get3A_312 = arith.constant 0 : index
    %get3A_313 = tpu.vector_load %arg6[%get3A_311, %get3A_312] {strides = array<i32>} : memref<8x32xf32, #tpu.memory_space<vmem>>, vector<1x16xf32>,
    %get3A_314 = vector.shape_cast %get3A_313 : vector<1x16xf32> to vector<16xf32>
    %eq3A_315 = vector.broadcast %add3A_270 : i32 to vector<16xi32>
    %eq3A_316 = arith.cmpi eq, %get3A_309, %eq3A_315 : vector<16xi32>
    %jit3A_317 = arith.constant 0.000000e+00 : f32
    %broadcast_in_dim3A_318 = vector.broadcast %jit3A_317 : f32 to vector<16xf32>
    %select_n3A_319 = arith.select %eq3A_316, %get3A_314, %broadcast_in_dim3A_318 : vector<16xi1>, vector<16xf32>
    %add3A_320 = arith.addf %add3A_304, %select_n3A_319 : vector<16xf32>
    %get3A_321 = arith.constant 3 : i32
    %get3A_322 = arith.index_cast %get3A_321 : i32 to index
    %get3A_323 = arith.constant 0 : index
    %get3A_324 = tpu.vector_load %arg5[%get3A_322, %get3A_323] {strides = array<i32>} : memref<8x32xi32, #tpu.memory_space<vmem>>, vector<1x16xi32>,
    %get3A_325 = vector.shape_cast %get3A_324 : vector<1x16xi32> to vector<16xi32>
    %get3A_326 = arith.constant 3 : i32
    %get3A_327 = arith.index_cast %get3A_326 : i32 to index
    %get3A_328 = arith.constant 0 : index
    %get3A_329 = tpu.vector_load %arg6[%get3A_327, %get3A_328] {strides = array<i32>} : memref<8x32xf32, #tpu.memory_space<vmem>>, vector<1x16xf32>,
    %get3A_330 = vector.shape_cast %get3A_329 : vector<1x16xf32> to vector<16xf32>
    %eq3A_331 = vector.broadcast %add3A_270 : i32 to vector<16xi32>
    %eq3A_332 = arith.cmpi eq, %get3A_325, %eq3A_331 : vector<16xi32>
    %jit3A_333 = arith.constant 0.000000e+00 : f32
    %broadcast_in_dim3A_334 = vector.broadcast %jit3A_333 : f32 to vector<16xf32>
    %select_n3A_335 = arith.select %eq3A_332, %get3A_330, %broadcast_in_dim3A_334 : vector<16xi1>, vector<16xf32>
    %add3A_336 = arith.addf %add3A_320, %select_n3A_335 : vector<16xf32>
    %get3A_337 = arith.constant 4 : i32
    %get3A_338 = arith.index_cast %get3A_337 : i32 to index
    %get3A_339 = arith.constant 0 : index
    %get3A_340 = tpu.vector_load %arg5[%get3A_338, %get3A_339] {strides = array<i32>} : memref<8x32xi32, #tpu.memory_space<vmem>>, vector<1x16xi32>,
    %get3A_341 = vector.shape_cast %get3A_340 : vector<1x16xi32> to vector<16xi32>
    %get3A_342 = arith.constant 4 : i32
    %get3A_343 = arith.index_cast %get3A_342 : i32 to index
    %get3A_344 = arith.constant 0 : index
    %get3A_345 = tpu.vector_load %arg6[%get3A_343, %get3A_344] {strides = array<i32>} : memref<8x32xf32, #tpu.memory_space<vmem>>, vector<1x16xf32>,
    %get3A_346 = vector.shape_cast %get3A_345 : vector<1x16xf32> to vector<16xf32>
    %eq3A_347 = vector.broadcast %add3A_270 : i32 to vector<16xi32>
    %eq3A_348 = arith.cmpi eq, %get3A_341, %eq3A_347 : vector<16xi32>
    %jit3A_349 = arith.constant 0.000000e+00 : f32
    %broadcast_in_dim3A_350 = vector.broadcast %jit3A_349 : f32 to vector<16xf32>
    %select_n3A_351 = arith.select %eq3A_348, %get3A_346, %broadcast_in_dim3A_350 : vector<16xi1>, vector<16xf32>
    %add3A_352 = arith.addf %add3A_336, %select_n3A_351 : vector<16xf32>
    %get3A_353 = arith.constant 5 : i32
    %get3A_354 = arith.index_cast %get3A_353 : i32 to index
    %get3A_355 = arith.constant 0 : index
    %get3A_356 = tpu.vector_load %arg5[%get3A_354, %get3A_355] {strides = array<i32>} : memref<8x32xi32, #tpu.memory_space<vmem>>, vector<1x16xi32>,
    %get3A_357 = vector.shape_cast %get3A_356 : vector<1x16xi32> to vector<16xi32>
    %get3A_358 = arith.constant 5 : i32
    %get3A_359 = arith.index_cast %get3A_358 : i32 to index
    %get3A_360 = arith.constant 0 : index
    %get3A_361 = tpu.vector_load %arg6[%get3A_359, %get3A_360] {strides = array<i32>} : memref<8x32xf32, #tpu.memory_space<vmem>>, vector<1x16xf32>,
    %get3A_362 = vector.shape_cast %get3A_361 : vector<1x16xf32> to vector<16xf32>
    %eq3A_363 = vector.broadcast %add3A_270 : i32 to vector<16xi32>
    %eq3A_364 = arith.cmpi eq, %get3A_357, %eq3A_363 : vector<16xi32>
    %jit3A_365 = arith.constant 0.000000e+00 : f32
    %broadcast_in_dim3A_366 = vector.broadcast %jit3A_365 : f32 to vector<16xf32>
    %select_n3A_367 = arith.select %eq3A_364, %get3A_362, %broadcast_in_dim3A_366 : vector<16xi1>, vector<16xf32>
    %add3A_368 = arith.addf %add3A_352, %select_n3A_367 : vector<16xf32>
    %get3A_369 = arith.constant 6 : i32
    %get3A_370 = arith.index_cast %get3A_369 : i32 to index
    %get3A_371 = arith.constant 0 : index
    %get3A_372 = tpu.vector_load %arg5[%get3A_370, %get3A_371] {strides = array<i32>} : memref<8x32xi32, #tpu.memory_space<vmem>>, vector<1x16xi32>,
    %get3A_373 = vector.shape_cast %get3A_372 : vector<1x16xi32> to vector<16xi32>
    %get3A_374 = arith.constant 6 : i32
    %get3A_375 = arith.index_cast %get3A_374 : i32 to index
    %get3A_376 = arith.constant 0 : index
    %get3A_377 = tpu.vector_load %arg6[%get3A_375, %get3A_376] {strides = array<i32>} : memref<8x32xf32, #tpu.memory_space<vmem>>, vector<1x16xf32>,
    %get3A_378 = vector.shape_cast %get3A_377 : vector<1x16xf32> to vector<16xf32>
    %eq3A_379 = vector.broadcast %add3A_270 : i32 to vector<16xi32>
    %eq3A_380 = arith.cmpi eq, %get3A_373, %eq3A_379 : vector<16xi32>
    %jit3A_381 = arith.constant 0.000000e+00 : f32
    %broadcast_in_dim3A_382 = vector.broadcast %jit3A_381 : f32 to vector<16xf32>
    %select_n3A_383 = arith.select %eq3A_380, %get3A_378, %broadcast_in_dim3A_382 : vector<16xi1>, vector<16xf32>
    %add3A_384 = arith.addf %add3A_368, %select_n3A_383 : vector<16xf32>
    %get3A_385 = arith.constant 7 : i32
    %get3A_386 = arith.index_cast %get3A_385 : i32 to index
    %get3A_387 = arith.constant 0 : index
    %get3A_388 = tpu.vector_load %arg5[%get3A_386, %get3A_387] {strides = array<i32>} : memref<8x32xi32, #tpu.memory_space<vmem>>, vector<1x16xi32>,
    %get3A_389 = vector.shape_cast %get3A_388 : vector<1x16xi32> to vector<16xi32>
    %get3A_390 = arith.constant 7 : i32
    %get3A_391 = arith.index_cast %get3A_390 : i32 to index
    %get3A_392 = arith.constant 0 : index
    %get3A_393 = tpu.vector_load %arg6[%get3A_391, %get3A_392] {strides = array<i32>} : memref<8x32xf32, #tpu.memory_space<vmem>>, vector<1x16xf32>,
    %get3A_394 = vector.shape_cast %get3A_393 : vector<1x16xf32> to vector<16xf32>
    %eq3A_395 = vector.broadcast %add3A_270 : i32 to vector<16xi32>
    %eq3A_396 = arith.cmpi eq, %get3A_389, %eq3A_395 : vector<16xi32>
    %jit3A_397 = arith.constant 0.000000e+00 : f32
    %broadcast_in_dim3A_398 = vector.broadcast %jit3A_397 : f32 to vector<16xf32>
    %select_n3A_399 = arith.select %eq3A_396, %get3A_394, %broadcast_in_dim3A_398 : vector<16xi1>, vector<16xf32>
    %add3A_400 = arith.addf %add3A_384, %select_n3A_399 : vector<16xf32>
    %swap3A_401 = arith.constant 0 : index
    %swap3A_402 = tpu.vector_load %arg7[%swap3A_401] {strides = array<i32>} : memref<32xf32, #tpu.memory_space<vmem>>, vector<16xf32>,
    %swap3A_403 = vector.shape_cast %swap3A_402 : vector<16xf32> to vector<16xf32>
    %swap3A_404 = vector.shape_cast %add3A_400 : vector<16xf32> to vector<16xf32>
    tpu.vector_store %arg7[%swap3A_401], %swap3A_404 {strides = array<i32>} : memref<32xf32, #tpu.memory_space<vmem>>, vector<16xf32>,
    %broadcast_in_dim3A_405 = arith.constant 0.000000e+00 : f32
    %broadcast_in_dim3A_406 = vector.broadcast %broadcast_in_dim3A_405 : f32 to vector<16xf32>
    %get3A_407 = arith.constant 0 : i32
    %get3A_408 = arith.index_cast %get3A_407 : i32 to index
    %get3A_409 = arith.constant 16 : index
    %get3A_410 = tpu.vector_load %arg5[%get3A_408, %get3A_409] {strides = array<i32>} : memref<8x32xi32, #tpu.memory_space<vmem>>, vector<1x16xi32>,
    %get3A_411 = vector.shape_cast %get3A_410 : vector<1x16xi32> to vector<16xi32>
    %get3A_412 = arith.constant 0 : i32
    %get3A_413 = arith.index_cast %get3A_412 : i32 to index
    %get3A_414 = arith.constant 16 : index
    %get3A_415 = tpu.vector_load %arg6[%get3A_413, %get3A_414] {strides = array<i32>} : memref<8x32xf32, #tpu.memory_space<vmem>>, vector<1x16xf32>,
    %get3A_416 = vector.shape_cast %get3A_415 : vector<1x16xf32> to vector<16xf32>
    %eq3A_417 = vector.broadcast %add3A_270 : i32 to vector<16xi32>
    %eq3A_418 = arith.cmpi eq, %get3A_411, %eq3A_417 : vector<16xi32>
    %jit3A_419 = arith.constant 0.000000e+00 : f32
    %broadcast_in_dim3A_420 = vector.broadcast %jit3A_419 : f32 to vector<16xf32>
    %select_n3A_421 = arith.select %eq3A_418, %get3A_416, %broadcast_in_dim3A_420 : vector<16xi1>, vector<16xf32>
    %add3A_422 = arith.addf %broadcast_in_dim3A_406, %select_n3A_421 : vector<16xf32>
    %get3A_423 = arith.constant 1 : i32
    %get3A_424 = arith.index_cast %get3A_423 : i32 to index
    %get3A_425 = arith.constant 16 : index
    %get3A_426 = tpu.vector_load %arg5[%get3A_424, %get3A_425] {strides = array<i32>} : memref<8x32xi32, #tpu.memory_space<vmem>>, vector<1x16xi32>,
    %get3A_427 = vector.shape_cast %get3A_426 : vector<1x16xi32> to vector<16xi32>
    %get3A_428 = arith.constant 1 : i32
    %get3A_429 = arith.index_cast %get3A_428 : i32 to index
    %get3A_430 = arith.constant 16 : index
    %get3A_431 = tpu.vector_load %arg6[%get3A_429, %get3A_430] {strides = array<i32>} : memref<8x32xf32, #tpu.memory_space<vmem>>, vector<1x16xf32>,
    %get3A_432 = vector.shape_cast %get3A_431 : vector<1x16xf32> to vector<16xf32>
    %eq3A_433 = vector.broadcast %add3A_270 : i32 to vector<16xi32>
    %eq3A_434 = arith.cmpi eq, %get3A_427, %eq3A_433 : vector<16xi32>
    %jit3A_435 = arith.constant 0.000000e+00 : f32
    %broadcast_in_dim3A_436 = vector.broadcast %jit3A_435 : f32 to vector<16xf32>
    %select_n3A_437 = arith.select %eq3A_434, %get3A_432, %broadcast_in_dim3A_436 : vector<16xi1>, vector<16xf32>
    %add3A_438 = arith.addf %add3A_422, %select_n3A_437 : vector<16xf32>
    %get3A_439 = arith.constant 2 : i32
    %get3A_440 = arith.index_cast %get3A_439 : i32 to index
    %get3A_441 = arith.constant 16 : index
    %get3A_442 = tpu.vector_load %arg5[%get3A_440, %get3A_441] {strides = array<i32>} : memref<8x32xi32, #tpu.memory_space<vmem>>, vector<1x16xi32>,
    %get3A_443 = vector.shape_cast %get3A_442 : vector<1x16xi32> to vector<16xi32>
    %get3A_444 = arith.constant 2 : i32
    %get3A_445 = arith.index_cast %get3A_444 : i32 to index
    %get3A_446 = arith.constant 16 : index
    %get3A_447 = tpu.vector_load %arg6[%get3A_445, %get3A_446] {strides = array<i32>} : memref<8x32xf32, #tpu.memory_space<vmem>>, vector<1x16xf32>,
    %get3A_448 = vector.shape_cast %get3A_447 : vector<1x16xf32> to vector<16xf32>
    %eq3A_449 = vector.broadcast %add3A_270 : i32 to vector<16xi32>
    %eq3A_450 = arith.cmpi eq, %get3A_443, %eq3A_449 : vector<16xi32>
    %jit3A_451 = arith.constant 0.000000e+00 : f32
    %broadcast_in_dim3A_452 = vector.broadcast %jit3A_451 : f32 to vector<16xf32>
    %select_n3A_453 = arith.select %eq3A_450, %get3A_448, %broadcast_in_dim3A_452 : vector<16xi1>, vector<16xf32>
    %add3A_454 = arith.addf %add3A_438, %select_n3A_453 : vector<16xf32>
    %get3A_455 = arith.constant 3 : i32
    %get3A_456 = arith.index_cast %get3A_455 : i32 to index
    %get3A_457 = arith.constant 16 : index
    %get3A_458 = tpu.vector_load %arg5[%get3A_456, %get3A_457] {strides = array<i32>} : memref<8x32xi32, #tpu.memory_space<vmem>>, vector<1x16xi32>,
    %get3A_459 = vector.shape_cast %get3A_458 : vector<1x16xi32> to vector<16xi32>
    %get3A_460 = arith.constant 3 : i32
    %get3A_461 = arith.index_cast %get3A_460 : i32 to index
    %get3A_462 = arith.constant 16 : index
    %get3A_463 = tpu.vector_load %arg6[%get3A_461, %get3A_462] {strides = array<i32>} : memref<8x32xf32, #tpu.memory_space<vmem>>, vector<1x16xf32>,
    %get3A_464 = vector.shape_cast %get3A_463 : vector<1x16xf32> to vector<16xf32>
    %eq3A_465 = vector.broadcast %add3A_270 : i32 to vector<16xi32>
    %eq3A_466 = arith.cmpi eq, %get3A_459, %eq3A_465 : vector<16xi32>
    %jit3A_467 = arith.constant 0.000000e+00 : f32
    %broadcast_in_dim3A_468 = vector.broadcast %jit3A_467 : f32 to vector<16xf32>
    %select_n3A_469 = arith.select %eq3A_466, %get3A_464, %broadcast_in_dim3A_468 : vector<16xi1>, vector<16xf32>
    %add3A_470 = arith.addf %add3A_454, %select_n3A_469 : vector<16xf32>
    %get3A_471 = arith.constant 4 : i32
    %get3A_472 = arith.index_cast %get3A_471 : i32 to index
    %get3A_473 = arith.constant 16 : index
    %get3A_474 = tpu.vector_load %arg5[%get3A_472, %get3A_473] {strides = array<i32>} : memref<8x32xi32, #tpu.memory_space<vmem>>, vector<1x16xi32>,
    %get3A_475 = vector.shape_cast %get3A_474 : vector<1x16xi32> to vector<16xi32>
    %get3A_476 = arith.constant 4 : i32
    %get3A_477 = arith.index_cast %get3A_476 : i32 to index
    %get3A_478 = arith.constant 16 : index
    %get3A_479 = tpu.vector_load %arg6[%get3A_477, %get3A_478] {strides = array<i32>} : memref<8x32xf32, #tpu.memory_space<vmem>>, vector<1x16xf32>,
    %get3A_480 = vector.shape_cast %get3A_479 : vector<1x16xf32> to vector<16xf32>
    %eq3A_481 = vector.broadcast %add3A_270 : i32 to vector<16xi32>
    %eq3A_482 = arith.cmpi eq, %get3A_475, %eq3A_481 : vector<16xi32>
    %jit3A_483 = arith.constant 0.000000e+00 : f32
    %broadcast_in_dim3A_484 = vector.broadcast %jit3A_483 : f32 to vector<16xf32>
    %select_n3A_485 = arith.select %eq3A_482, %get3A_480, %broadcast_in_dim3A_484 : vector<16xi1>, vector<16xf32>
    %add3A_486 = arith.addf %add3A_470, %select_n3A_485 : vector<16xf32>
    %get3A_487 = arith.constant 5 : i32
    %get3A_488 = arith.index_cast %get3A_487 : i32 to index
    %get3A_489 = arith.constant 16 : index
    %get3A_490 = tpu.vector_load %arg5[%get3A_488, %get3A_489] {strides = array<i32>} : memref<8x32xi32, #tpu.memory_space<vmem>>, vector<1x16xi32>,
    %get3A_491 = vector.shape_cast %get3A_490 : vector<1x16xi32> to vector<16xi32>
    %get3A_492 = arith.constant 5 : i32
    %get3A_493 = arith.index_cast %get3A_492 : i32 to index
    %get3A_494 = arith.constant 16 : index
    %get3A_495 = tpu.vector_load %arg6[%get3A_493, %get3A_494] {strides = array<i32>} : memref<8x32xf32, #tpu.memory_space<vmem>>, vector<1x16xf32>,
    %get3A_496 = vector.shape_cast %get3A_495 : vector<1x16xf32> to vector<16xf32>
    %eq3A_497 = vector.broadcast %add3A_270 : i32 to vector<16xi32>
    %eq3A_498 = arith.cmpi eq, %get3A_491, %eq3A_497 : vector<16xi32>
    %jit3A_499 = arith.constant 0.000000e+00 : f32
    %broadcast_in_dim3A_500 = vector.broadcast %jit3A_499 : f32 to vector<16xf32>
    %select_n3A_501 = arith.select %eq3A_498, %get3A_496, %broadcast_in_dim3A_500 : vector<16xi1>, vector<16xf32>
    %add3A_502 = arith.addf %add3A_486, %select_n3A_501 : vector<16xf32>
    %get3A_503 = arith.constant 6 : i32
    %get3A_504 = arith.index_cast %get3A_503 : i32 to index
    %get3A_505 = arith.constant 16 : index
    %get3A_506 = tpu.vector_load %arg5[%get3A_504, %get3A_505] {strides = array<i32>} : memref<8x32xi32, #tpu.memory_space<vmem>>, vector<1x16xi32>,
    %get3A_507 = vector.shape_cast %get3A_506 : vector<1x16xi32> to vector<16xi32>
    %get3A_508 = arith.constant 6 : i32
    %get3A_509 = arith.index_cast %get3A_508 : i32 to index
    %get3A_510 = arith.constant 16 : index
    %get3A_511 = tpu.vector_load %arg6[%get3A_509, %get3A_510] {strides = array<i32>} : memref<8x32xf32, #tpu.memory_space<vmem>>, vector<1x16xf32>,
    %get3A_512 = vector.shape_cast %get3A_511 : vector<1x16xf32> to vector<16xf32>
    %eq3A_513 = vector.broadcast %add3A_270 : i32 to vector<16xi32>
    %eq3A_514 = arith.cmpi eq, %get3A_507, %eq3A_513 : vector<16xi32>
    %jit3A_515 = arith.constant 0.000000e+00 : f32
    %broadcast_in_dim3A_516 = vector.broadcast %jit3A_515 : f32 to vector<16xf32>
    %select_n3A_517 = arith.select %eq3A_514, %get3A_512, %broadcast_in_dim3A_516 : vector<16xi1>, vector<16xf32>
    %add3A_518 = arith.addf %add3A_502, %select_n3A_517 : vector<16xf32>
    %get3A_519 = arith.constant 7 : i32
    %get3A_520 = arith.index_cast %get3A_519 : i32 to index
    %get3A_521 = arith.constant 16 : index
    %get3A_522 = tpu.vector_load %arg5[%get3A_520, %get3A_521] {strides = array<i32>} : memref<8x32xi32, #tpu.memory_space<vmem>>, vector<1x16xi32>,
    %get3A_523 = vector.shape_cast %get3A_522 : vector<1x16xi32> to vector<16xi32>
    %get3A_524 = arith.constant 7 : i32
    %get3A_525 = arith.index_cast %get3A_524 : i32 to index
    %get3A_526 = arith.constant 16 : index
    %get3A_527 = tpu.vector_load %arg6[%get3A_525, %get3A_526] {strides = array<i32>} : memref<8x32xf32, #tpu.memory_space<vmem>>, vector<1x16xf32>,
    %get3A_528 = vector.shape_cast %get3A_527 : vector<1x16xf32> to vector<16xf32>
    %eq3A_529 = vector.broadcast %add3A_270 : i32 to vector<16xi32>
    %eq3A_530 = arith.cmpi eq, %get3A_523, %eq3A_529 : vector<16xi32>
    %jit3A_531 = arith.constant 0.000000e+00 : f32
    %broadcast_in_dim3A_532 = vector.broadcast %jit3A_531 : f32 to vector<16xf32>
    %select_n3A_533 = arith.select %eq3A_530, %get3A_528, %broadcast_in_dim3A_532 : vector<16xi1>, vector<16xf32>
    %add3A_534 = arith.addf %add3A_518, %select_n3A_533 : vector<16xf32>
    %swap3A_535 = arith.constant 16 : index
    %swap3A_536 = tpu.vector_load %arg7[%swap3A_535] {strides = array<i32>} : memref<32xf32, #tpu.memory_space<vmem>>, vector<16xf32>,
    %swap3A_537 = vector.shape_cast %swap3A_536 : vector<16xf32> to vector<16xf32>
    %swap3A_538 = vector.shape_cast %add3A_534 : vector<16xf32> to vector<16xf32>
    tpu.vector_store %arg7[%swap3A_535], %swap3A_538 {strides = array<i32>} : memref<32xf32, #tpu.memory_space<vmem>>, vector<16xf32>,
    "tpu.region"() ({
      %run_scoped3A = tpu.sem_alloc : memref<!tpu.dma_semaphore, #tpu.memory_space<semaphore_mem>>
      %dma_start3A = arith.constant 0 : i32
      %dma_start3A_539 = tpu.memref_slice %arg4[%add3A_270, %dma_start3A] : memref<64x32xf32, #tpu.memory_space<hbm>> -> memref<1x32xf32, #tpu.memory_space<hbm>>
      %dma_start3A_540 = tpu.memref_squeeze %dma_start3A_539 : memref<1x32xf32, #tpu.memory_space<hbm>> -> memref<32xf32, #tpu.memory_space<hbm>>
      %dma_start3A_541 = arith.constant 0 : i32
      %dma_start3A_542 = tpu.memref_slice %arg4[%add3A_270, %dma_start3A_541] : memref<64x32xf32, #tpu.memory_space<hbm>> -> memref<1x32xf32, #tpu.memory_space<hbm>>
      %dma_start3A_543 = tpu.memref_squeeze %dma_start3A_542 : memref<1x32xf32, #tpu.memory_space<hbm>> -> memref<32xf32, #tpu.memory_space<hbm>>
      tpu.enqueue_dma source(%arg7 : memref<32xf32, #tpu.memory_space<vmem>>) target(%dma_start3A_543 : memref<32xf32, #tpu.memory_space<hbm>>) target_semaphore(%run_scoped3A : memref<!tpu.dma_semaphore, #tpu.memory_space<semaphore_mem>>)
      %dma_wait3A = arith.constant 0 : i32
      %dma_wait3A_544 = tpu.memref_slice %arg4[%add3A_270, %dma_wait3A] : memref<64x32xf32, #tpu.memory_space<hbm>> -> memref<1x32xf32, #tpu.memory_space<hbm>>
      %dma_wait3A_545 = tpu.memref_squeeze %dma_wait3A_544 : memref<1x32xf32, #tpu.memory_space<hbm>> -> memref<32xf32, #tpu.memory_space<hbm>>
      %dma_wait3A_546 = arith.constant 0 : i32
      %dma_wait3A_547 = tpu.memref_slice %arg4[%add3A_270, %dma_wait3A_546] : memref<64x32xf32, #tpu.memory_space<hbm>> -> memref<1x32xf32, #tpu.memory_space<hbm>>
      %dma_wait3A_548 = tpu.memref_squeeze %dma_wait3A_547 : memref<1x32xf32, #tpu.memory_space<hbm>> -> memref<32xf32, #tpu.memory_space<hbm>>
      tpu.wait_dma2 semaphore(%run_scoped3A : memref<!tpu.dma_semaphore, #tpu.memory_space<semaphore_mem>>) src(%arg7 : memref<32xf32, #tpu.memory_space<vmem>>) dst(%dma_wait3A_548 : memref<32xf32, #tpu.memory_space<hbm>>)
      tpu.yield
    }) : () -> ()
    return
  }
}

module attributes {stable_mosaic.version = 14 : i64} {
  func.func @_moe_kernel(%arg0: i32, %arg1: memref<1x32x1xf32, #tpu.memory_space<vmem>>, %arg2: memref<64xf32, #tpu.memory_space<smem>>, %arg3: memref<64xf32, #tpu.memory_space<smem>>, %arg4: memref<64xf32, #tpu.memory_space<smem>>, %arg5: memref<32x1024xf32, #tpu.memory_space<vmem>>, %arg6: memref<1x704x1024xf32, #tpu.memory_space<vmem>>, %arg7: memref<1x704x1024xf32, #tpu.memory_space<vmem>>, %arg8: memref<1x704x1024xf32, #tpu.memory_space<vmem>>, %arg9: memref<32x1024xf32, #tpu.memory_space<vmem>>) attributes {dimension_semantics = [#tpu.dimension_semantics<arbitrary>], iteration_bounds = array<i64: 64>, scalar_prefetch = 0 : i64, scratch_operands = 0 : i64, tpu.core_type = #tpu.core_type<tc>, window_params = [{transform_indices = @transform_0, window_bounds = array<i64: 1, 32, 1>}, {transform_indices = @transform_1, window_bounds = array<i64: 64>}, {transform_indices = @transform_2, window_bounds = array<i64: 64>}, {transform_indices = @transform_3, window_bounds = array<i64: 64>}, {pipeline_mode = #tpu.pipeline_mode<synchronous>, transform_indices = @transform_4, window_bounds = array<i64: 32, 1024>}, {transform_indices = @transform_5, window_bounds = array<i64: 1, 704, 1024>}, {transform_indices = @transform_6, window_bounds = array<i64: 1, 704, 1024>}, {transform_indices = @transform_7, window_bounds = array<i64: 1, 704, 1024>}, {pipeline_mode = #tpu.pipeline_mode<synchronous>, transform_indices = @transform_8, window_bounds = array<i64: 32, 1024>}]} {
    %get3A = arith.constant 0 : index
    %get3A_0 = arith.constant 0 : index
    %get3A_1 = vector.load %arg5[%get3A, %get3A_0] : memref<32x1024xf32, #tpu.memory_space<vmem>>, vector<32x1024xf32>
    %convert_element_type3A = arith.truncf %get3A_1 : vector<32x1024xf32> to vector<32x1024xbf16>
    %get3A_2 = arith.constant 0 : index
    %get3A_3 = arith.constant 0 : index
    %get3A_4 = arith.constant 0 : index
    %get3A_5 = vector.load %arg6[%get3A_2, %get3A_3, %get3A_4] : memref<1x704x1024xf32, #tpu.memory_space<vmem>>, vector<1x704x1024xf32>
    %get3A_6 = vector.shape_cast %get3A_5 : vector<1x704x1024xf32> to vector<704x1024xf32>
    %convert_element_type3A_7 = arith.truncf %get3A_6 : vector<704x1024xf32> to vector<704x1024xbf16>
    %get3A_8 = arith.constant 0 : index
    %get3A_9 = arith.constant 0 : index
    %get3A_10 = arith.constant 0 : index
    %get3A_11 = vector.load %arg7[%get3A_8, %get3A_9, %get3A_10] : memref<1x704x1024xf32, #tpu.memory_space<vmem>>, vector<1x704x1024xf32>
    %get3A_12 = vector.shape_cast %get3A_11 : vector<1x704x1024xf32> to vector<704x1024xf32>
    %convert_element_type3A_13 = arith.truncf %get3A_12 : vector<704x1024xf32> to vector<704x1024xbf16>
    %get3A_14 = arith.constant 0 : index
    %get3A_15 = arith.constant 0 : index
    %get3A_16 = arith.constant 0 : index
    %get3A_17 = vector.load %arg8[%get3A_14, %get3A_15, %get3A_16] : memref<1x704x1024xf32, #tpu.memory_space<vmem>>, vector<1x704x1024xf32>
    %get3A_18 = vector.shape_cast %get3A_17 : vector<1x704x1024xf32> to vector<704x1024xf32>
    %convert_element_type3A_19 = arith.truncf %get3A_18 : vector<704x1024xf32> to vector<704x1024xbf16>
    %dot_general3A = arith.constant dense<0.000000e+00> : vector<32x704xf32>
    %dot_general3A_20 = tpu.matmul %convert_element_type3A, %convert_element_type3A_7, %dot_general3A {dimension_numbers = #tpu.dot_dimension_numbers<[1], [1], [0], [0], [0, 0, 1, 0], [], []>, transpose_lhs_hint = false} : vector<32x1024xbf16>, vector<704x1024xbf16>, vector<32x704xf32> -> vector<32x704xf32>
    %get3A_21 = arith.index_cast %arg0 : i32 to index
    %get3A_22 = memref.load %arg2[%get3A_21] : memref<64xf32, #tpu.memory_space<smem>>
    %mul3A = vector.broadcast %get3A_22 : f32 to vector<32x704xf32>
    %mul3A_23 = arith.mulf %dot_general3A_20, %mul3A : vector<32x704xf32>
    %dot_general3A_24 = arith.constant dense<0.000000e+00> : vector<32x704xf32>
    %dot_general3A_25 = tpu.matmul %convert_element_type3A, %convert_element_type3A_13, %dot_general3A_24 {dimension_numbers = #tpu.dot_dimension_numbers<[1], [1], [0], [0], [0, 0, 1, 0], [], []>, transpose_lhs_hint = false} : vector<32x1024xbf16>, vector<704x1024xbf16>, vector<32x704xf32> -> vector<32x704xf32>
    %logistic3A = arith.negf %mul3A_23 : vector<32x704xf32>
    %logistic3A_26 = math.exp %logistic3A : vector<32x704xf32>
    %logistic3A_27 = arith.constant 1.000000e+00 : f32
    %logistic3A_28 = vector.broadcast %logistic3A_27 : f32 to vector<32x704xf32>
    %logistic3A_29 = arith.addf %logistic3A_28, %logistic3A_26 : vector<32x704xf32>
    %logistic3A_30 = arith.divf %logistic3A_28, %logistic3A_29 : vector<32x704xf32>
    %mul3A_31 = arith.mulf %mul3A_23, %logistic3A_30 : vector<32x704xf32>
    %mul3A_32 = arith.mulf %mul3A_31, %dot_general3A_25 : vector<32x704xf32>
    %convert_element_type3A_33 = arith.truncf %mul3A_32 : vector<32x704xf32> to vector<32x704xbf16>
    %dot_general3A_34 = arith.constant dense<0.000000e+00> : vector<32x1024xf32>
    %dot_general3A_35 = tpu.matmul %convert_element_type3A_33, %convert_element_type3A_19, %dot_general3A_34 {dimension_numbers = #tpu.dot_dimension_numbers<[1], [0], [0], [1], [0, 0, 1, 1], [], []>, transpose_lhs_hint = false} : vector<32x704xbf16>, vector<704x1024xbf16>, vector<32x1024xf32> -> vector<32x1024xf32>
    %get3A_36 = arith.constant 0 : index
    %get3A_37 = arith.constant 0 : index
    %get3A_38 = arith.constant 0 : index
    %get3A_39 = vector.load %arg1[%get3A_36, %get3A_37, %get3A_38] : memref<1x32x1xf32, #tpu.memory_space<vmem>>, vector<1x32x1xf32>
    %get3A_40 = vector.shape_cast %get3A_39 : vector<1x32x1xf32> to vector<32x1xf32>
    %get3A_41 = arith.index_cast %arg0 : i32 to index
    %get3A_42 = memref.load %arg3[%get3A_41] : memref<64xf32, #tpu.memory_space<smem>>
    %get3A_43 = arith.index_cast %arg0 : i32 to index
    %get3A_44 = memref.load %arg4[%get3A_43] : memref<64xf32, #tpu.memory_space<smem>>
    %mul3A_45 = arith.mulf %get3A_42, %get3A_44 : f32
    %mul3A_46 = vector.broadcast %mul3A_45 : f32 to vector<32x1xf32>
    %mul3A_47 = arith.mulf %get3A_40, %mul3A_46 : vector<32x1xf32>
    %mul3A_48 = vector.broadcast %mul3A_47 : vector<32x1xf32> to vector<32x1024xf32>
    %mul3A_49 = arith.mulf %dot_general3A_35, %mul3A_48 : vector<32x1024xf32>
    %eq3A = arith.constant 0 : i32
    %eq3A_50 = arith.cmpi eq, %arg0, %eq3A : i32
    %convert_element_type3A_51 = arith.extui %eq3A_50 : i1 to i32
    %cond3A = arith.constant 0 : i32
    %cond3A_52 = arith.cmpi ne, %convert_element_type3A_51, %cond3A : i32
    scf.if %cond3A_52 {
      %swap3A = arith.constant 0 : index
      %swap3A_57 = arith.constant 0 : index
      %swap3A_58 = vector.load %arg9[%swap3A, %swap3A_57] : memref<32x1024xf32, #tpu.memory_space<vmem>>, vector<32x1024xf32>
      tpu.vector_store %arg9[%swap3A, %swap3A_57], %mul3A_49 {strides = array<i32>} : memref<32x1024xf32, #tpu.memory_space<vmem>>, vector<32x1024xf32>,
    } else {
    }
    %ne3A = arith.constant 0 : i32
    %ne3A_53 = arith.cmpi ne, %arg0, %ne3A : i32
    %convert_element_type3A_54 = arith.extui %ne3A_53 : i1 to i32
    %cond3A_55 = arith.constant 0 : i32
    %cond3A_56 = arith.cmpi ne, %convert_element_type3A_54, %cond3A_55 : i32
    scf.if %cond3A_56 {
      %get3A_57 = arith.constant 0 : index
      %get3A_58 = arith.constant 0 : index
      %get3A_59 = vector.load %arg9[%get3A_57, %get3A_58] : memref<32x1024xf32, #tpu.memory_space<vmem>>, vector<32x1024xf32>
      %add3A = arith.addf %get3A_59, %mul3A_49 : vector<32x1024xf32>
      %swap3A = arith.constant 0 : index
      %swap3A_60 = arith.constant 0 : index
      %swap3A_61 = vector.load %arg9[%swap3A, %swap3A_60] : memref<32x1024xf32, #tpu.memory_space<vmem>>, vector<32x1024xf32>
      tpu.vector_store %arg9[%swap3A, %swap3A_60], %add3A {strides = array<i32>} : memref<32x1024xf32, #tpu.memory_space<vmem>>, vector<32x1024xf32>,
    } else {
    }
    return
  }
  func.func @transform_0(%arg0: i32) -> (i32, i32, i32) {
    %c0_i32 = arith.constant 0 : i32
    %c0_i32_0 = arith.constant 0 : i32
    %c0_i32_1 = arith.constant 0 : i32
    return %arg0, %c0_i32, %c0_i32_0 : i32, i32, i32
  }
  func.func @transform_1(%arg0: i32) -> i32 {
    %c0_i32 = arith.constant 0 : i32
    %c0_i32_0 = arith.constant 0 : i32
    return %c0_i32 : i32
  }
  func.func @transform_2(%arg0: i32) -> i32 {
    %c0_i32 = arith.constant 0 : i32
    %c0_i32_0 = arith.constant 0 : i32
    return %c0_i32 : i32
  }
  func.func @transform_3(%arg0: i32) -> i32 {
    %c0_i32 = arith.constant 0 : i32
    %c0_i32_0 = arith.constant 0 : i32
    return %c0_i32 : i32
  }
  func.func @transform_4(%arg0: i32) -> (i32, i32) {
    %c0_i32 = arith.constant 0 : i32
    %c0_i32_0 = arith.constant 0 : i32
    %c0_i32_1 = arith.constant 0 : i32
    return %c0_i32, %c0_i32_0 : i32, i32
  }
  func.func @transform_5(%arg0: i32) -> (i32, i32, i32) {
    %c0_i32 = arith.constant 0 : i32
    %c0_i32_0 = arith.constant 0 : i32
    %c0_i32_1 = arith.constant 0 : i32
    return %arg0, %c0_i32, %c0_i32_0 : i32, i32, i32
  }
  func.func @transform_6(%arg0: i32) -> (i32, i32, i32) {
    %c0_i32 = arith.constant 0 : i32
    %c0_i32_0 = arith.constant 0 : i32
    %c0_i32_1 = arith.constant 0 : i32
    return %arg0, %c0_i32, %c0_i32_0 : i32, i32, i32
  }
  func.func @transform_7(%arg0: i32) -> (i32, i32, i32) {
    %c0_i32 = arith.constant 0 : i32
    %c0_i32_0 = arith.constant 0 : i32
    %c0_i32_1 = arith.constant 0 : i32
    return %arg0, %c0_i32, %c0_i32_0 : i32, i32, i32
  }
  func.func @transform_8(%arg0: i32) -> (i32, i32) {
    %c0_i32 = arith.constant 0 : i32
    %c0_i32_0 = arith.constant 0 : i32
    %c0_i32_1 = arith.constant 0 : i32
    return %c0_i32, %c0_i32_0 : i32, i32
  }
}

</mosaic_0001>

<sc_bundles>
// kernel: kernel.4.cloned.1.call-start
scs
__scs_entry_jumppad:
0x0: {  	(pc) =	sbr.rel $0x88, $3  }
0x1: {  	(tag) =	ssettag $0x0;
	lr =	simm.s32 $0x1  }
0x2: {  	[smem:$0x3F98] =	sst lr;
	_ =	strace $0xD0000000  }
0x3: {  	_ = 	snop  }
0x4: {  	_ = 	snop  }
0x5: {  	_ = 	snop  }
0x6: {  	_ = 	snop  }
0x7: {  	_ = 	snop  }
__scs_overlays_trampoline_lowered:
0x8: {  	[smem:$0x3FA7] =	sst s0  }
0x9: {  	[smem:$0x3FA8] =	sst s1  }
0xa: {  	[smem:$0x3FA9] =	sst s2  }
0xb: {  	[smem:$0x3FAA] =	sst s3  }
0xc: {  	[smem:$0x3FAB] =	sst s4  }
0xd: {  	[smem:$0x3FAC] =	sst s5  }
0xe: {  	[smem:$0x3FAD] =	sst s6  }
0xf: {  	[smem:$0x3FAE] =	sst s7  }
0x10: {  	[smem:$0x3FAF] =	sst s8  }
0x11: {  	[smem:$0x3FB0] =	sst s9;
	s0 =	simm.s32 @!p0 $0x0  }
0x12: {  	s1 =	sld [smem:$0x3F96];
	s0 =	simm.s32 @p0 $0x1  }
0x13: {  	[smem:$0x3FB1] =	sst s0;
	s0 =	simm.s32 @!p1 $0x0  }
0x14: {  	s2 =	sld [smem:$0x3F95];
	s0 =	simm.s32 @p1 $0x1  }
0x15: {  	[smem:$0x3FB2] =	sst s0;
	s0 =	simm.s32 @!p2 $0x0  }
0x16: {  	s3 =	sld [smem:$0x3FDB];
	s0 =	simm.s32 @p2 $0x1  }
0x17: {  	s4 =	simm.s32 $0x1BF5;
	[smem:$0x3FB4] =	sst s0  }
0x18: {  	s0 =	sld [smem:$0x3F97];
	_ =	swait.ge [sflag:s4], $0x0  }
0x19: {  	s7 =	sld [smem:$0x3F98]  }
0x1a: {  	s8 =	sadd.s32 $0xFFFFE003, lr  }
0x1b: {  	s9 =	sadd.s32 $0xFFFFFEF7, lr;
	s5 =	simm.s32 $0xFFFFFFFF;
	p2 =	slt.u32 s8, $0xFFFFF086  }
0x1c: {  	p1 =	slt.u32 s9, $0xF7A;
	s5 =	simm.s32 @!p2 $0x0  }
0x1d: {  	s5 =	simm.s32 @p1 $0x1;
	p0 =	seq.s32 s7, s2  }
0x1e: {  	s7 =	smul.u32 @!p0 $0xF7A, s2;
	p2 =	seq.s32 @!p0 s5, $0x0  }
0x1f: {  	s9 =	smul.u32 $0xF7A, s1;
	s8 =	simm.s32 @!p0 $0x1BF5;
	p2 =	por !p2, p0  }
0x20: {  	[sflag:s8] =	ssyncset.s32 @!p0 $0xFFFFF086;
	s6 =	sadd.s32 @!p0 s3, s7;
	s7 =	simm.s32 @!p0 $0x108  }
0x21: {  	s3 =	sadd.s32 s3, s9;
	s6 =	sadd.s32 @!p0 $0x88, s6;
	s7 =	simm.s32 @p2 $0x1082  }
0x22: {  	[simem:s7], [sflag:s8] =	dma.local @!p0 [hbm:s6], $0xF7A  }
0x23: {  	s9 =	sor.u32 $0xD0000000, s2;
	s6 =	simm.s32 $0x108;
	_ =	swait.ge @!p0 [sflag:s8], $0x0  }
0x24: {  	s3 =	sadd.s32 $0x88, s3;
	s6 =	simm.s32 @!p1 $0x1082;
	[sflag:s4] =	ssyncset.s32 $0xFFFFF086  }
0x25: {  	[simem:s6], [sflag:s4] =	dma.local [hbm:s3], $0xF7A  }
0x26: {  	[smem:$0x3F98] =	sst s1;
	(tag) =	ssettag s2;
	_ =	strace s9  }
0x27: {  	s1 =	sld [smem:$0x3FA8]  }
0x28: {  	s2 =	sld [smem:$0x3FA9]  }
0x29: {  	s4 =	sld [smem:$0x3FAB]  }
0x2a: {  	p0 =	seq.s32 s5, $0x0;
	s5 =	sld [smem:$0x3FAC]  }
0x2b: {  	s6 =	sld [smem:$0x3FAD]  }
0x2c: {  	s7 =	sld [smem:$0x3FAE]  }
0x2d: {  	s3 =	simm.s32 $0x108;
	s8 =	sld [smem:$0x3FAF]  }
0x2e: {  	s3 =	simm.s32 @!p0 $0x1082;
	s9 =	sld [smem:$0x3FB0]  }
0x2f: {  	lr =	sadd.s32 s0, s3;
	s0 =	sld [smem:$0x3FA7]  }
0x30: {  	s3 =	sld [smem:$0x3FAA]  }
0x31: {  	[smem:$0x3FB3] =	sst s10  }
0x32: {  	s10 =	sld [smem:$0x3FB1];
	_ =	sdelay $0x3  }
0x33: {  	p0 =	seq.s32 s10, $0x1;
	s10 =	sld [smem:$0x3FB3];
	_ =	sdelay $0x3  }
0x34: {  	[smem:$0x3FB3] =	sst s10  }
0x35: {  	s10 =	sld [smem:$0x3FB2];
	_ =	sdelay $0x3  }
0x36: {  	p1 =	seq.s32 s10, $0x1;
	s10 =	sld [smem:$0x3FB3];
	_ =	sdelay $0x3  }
0x37: {  	[smem:$0x3FB3] =	sst s10  }
0x38: {  	s10 =	sld [smem:$0x3FB4]  }
0x39: {  	_ = 	snop;
	(pc) =	sbr.ind lr, $3  }
0x3a: {  	_ = 	snop  }
0x3b: {  	_ = 	snop  }
0x3c: {  	p2 =	seq.s32 s10, $0x1;
	s10 =	sld [smem:$0x3FB3]  }
0x3d: {  	_ =	shalt  }
0x3e: {  	_ =	shalt  }
0x3f: {  	_ =	shalt  }
0x40: {  	_ =	shalt  }
0x41: {  	_ =	shalt  }
0x42: {  	_ =	shalt  }
0x43: {  	_ =	shalt  }
0x44: {  	_ =	shalt  }
0x45: {  	_ =	shalt  }
0x46: {  	_ =	shalt  }
0x47: {  	_ =	shalt  }
0x48: {  	_ =	shalt  }
0x49: {  	_ =	shalt  }
0x4a: {  	_ =	shalt  }
0x4b: {  	_ =	shalt  }
0x4c: {  	_ =	shalt  }
0x4d: {  	_ =	shalt  }
0x4e: {  	_ =	shalt  }
0x4f: {  	_ =	shalt  }
0x50: {  	_ =	shalt  }
0x51: {  	_ =	shalt  }
0x52: {  	_ =	shalt  }
0x53: {  	_ =	shalt  }
0x54: {  	_ =	shalt  }
0x55: {  	_ =	shalt  }
0x56: {  	_ =	shalt  }
0x57: {  	_ =	shalt  }
0x58: {  	_ =	shalt  }
0x59: {  	_ =	shalt  }
0x5a: {  	_ =	shalt  }
0x5b: {  	_ =	shalt  }
0x5c: {  	_ =	shalt  }
0x5d: {  	_ =	shalt  }
0x5e: {  	_ =	shalt  }
0x5f: {  	_ =	shalt  }
0x60: {  	_ =	shalt  }
0x61: {  	_ =	shalt  }
0x62: {  	_ =	shalt  }
0x63: {  	_ =	shalt  }
0x64: {  	_ =	shalt  }
0x65: {  	_ =	shalt  }
0x66: {  	_ =	shalt  }
0x67: {  	_ =	shalt  }
0x68: {  	_ =	shalt  }
0x69: {  	_ =	shalt  }
0x6a: {  	_ =	shalt  }
0x6b: {  	_ =	shalt  }
0x6c: {  	_ =	shalt  }
0x6d: {  	_ =	shalt  }
0x6e: {  	_ =	shalt  }
0x6f: {  	_ =	shalt  }
0x70: {  	_ =	shalt  }
0x71: {  	_ =	shalt  }
0x72: {  	_ =	shalt  }
0x73: {  	_ =	shalt  }
0x74: {  	_ =	shalt  }
0x75: {  	_ =	shalt  }
0x76: {  	_ =	shalt  }
0x77: {  	_ =	shalt  }
0x78: {  	_ =	shalt  }
0x79: {  	_ =	shalt  }
0x7a: {  	_ =	shalt  }
0x7b: {  	_ =	shalt  }
0x7c: {  	_ =	shalt  }
0x7d: {  	_ =	shalt  }
0x7e: {  	_ =	shalt  }
0x7f: {  	_ =	shalt  }
0x80: {  	_ =	shalt  }
0x81: {  	_ =	shalt  }
0x82: {  	_ =	shalt  }
0x83: {  	_ =	shalt  }
0x84: {  	_ =	shalt  }
0x85: {  	_ =	shalt  }
0x86: {  	_ =	shalt  }
0x87: {  	_ =	shalt  }
.Lfunc_end0:
.L_simem_size_0:
called_computation_lowered:
.L_overlay_start_0:
0x88: {  	s2 =	sld [smem:$0x3FD9]  }
0x89: {  	s3 =	sld [smem:$0x3FFE];
	_ =	sdelay $0x1  }
0x8a: {  	s1 =	srdreg.scid  }
0x8b: {  	s0 =	sand.u32 $0x1, s1  }
0x8c: {  	s18 =	sshll.u32 s0, $0xA;
	s2 =	sadd.s32 s3, s2  }
0x8d: {  	s2 =	sadd.s32 s2, s18  }
0x8e: {  	[smem:$0x3FBF] =	sst s2  }
0x8f: {  	_ = 	snop  }
0x90: {  	s2 =	sld [smem:$0x3FC2]  }
0x91: {  	s19 =	sld [smem:$0x3FC1]  }
0x92: {  	s4 =	sld [smem:$0x3FD0];
	(tm) =	ssettm $0x1  }
0x93: {  	s5 =	sld [smem:$0x3FFB];
	_ =	sdelay $0x3  }
0x94: {  	_ =	strace s5  }
0x95: {  	s5 =	sld [smem:$0x3FFC];
	_ =	sdelay $0x3  }
0x96: {  	_ =	strace s5  }
0x97: {  	s5 =	sld [smem:$0x3FFD];
	_ =	sdelay $0x3  }
0x98: {  	_ =	strace s5  }
0x99: {  	_ =	strace $0x8FFFFFFF  }
0x9a: {  	s20 =	sld [smem:$0x3FDB];
	_ =	sdelay $0x1  }
0x9b: {  	s6 =	simm.s32 $_scs_section_size  }
0x9c: {  	s7 =	simm.s32 $_size__tile_overlayer_lowered;
	s8 =	simm.s32 $_tile_overlayer_lowered  }
0x9d: {  	s23 =	simm.s32 $0x1BFF;
	s22 =	sshll.u32 s8, $0x1;
	s5 =	sadd.s32 s6, s20  }
0x9e: {  	s9 =	simm.s32 $0x0;
	s21 =	sshll.u32 s7, $0x1;
	s7 =	sadd.s32 s22, s5  }
0x9f: {  	[timem:s9], [sflag:s23] =	dma.local [hbm:s7], s21  }
0xa0: {  	_ =	swait.ge [sflag:s23], s21  }
0xa1: {  	s6 =	ssub.s32 $0x0, s21;
	[sflag:s23] =	ssyncset.done $0x0  }
0xa2: {  	[sflag:s23] =	ssyncadd.s32 s6;
	_ =	sdelay $0x1  }
0xa3: {  	s24 =	simm.s32 $0x1B8B  }
0xa4: {  	_ =	swait.ge [sflag:s24], $0x1  }
0xa5: {  	[sflag:s24] =	ssyncset.done $0x0  }
0xa6: {  	s25 =	simm.s32 $0x1B8E;
	[sflag:s24] =	ssyncadd.s32 $0xFFFFFFFF  }
0xa7: {  	s26 =	simm.s32 $execute0_lowered;
	[smem:$0x3FD2] =	sst s25  }
0xa8: {  	s6 =	sshll.u32 s26, $0x1;
	_ =	strace $0x80000046;
	[dreg:$0x1] =	wrdreg $0xFFFFFFFF  }
0xa9: {  	s28 =	simm.s32 $_size_execute0_lowered;
	s5 =	sadd.s32 s5, s6;
	[dreg:$0x0] =	wrdreg $0x0  }
0xaa: {  	s6 =	sshll.u32 s28, $0x1;
	[dreg:$0x2] =	wrdreg s5  }
0xab: {  	[dreg:$0x3] =	wrdreg s6  }
0xac: {  	[dreg:$0x4] =	wrdreg $0xC0  }
0xad: {  	_ =	task [dreg:s9], $0x5FFFF  }
0xae: {  	[dreg:$0x1] =	wrdreg $0xFFFFFFFF  }
0xaf: {  	[dreg:$0x0] =	wrdreg $0x60  }
0xb0: {  	[dreg:$0x2] =	wrdreg s2  }
0xb1: {  	[dreg:$0x3] =	wrdreg s19  }
0xb2: {  	[dreg:$0x4] =	wrdreg s4  }
0xb3: {  	[dreg:$0x5] =	wrdreg $0x9  }
0xb4: {  	_ =	task.clear_ibuf [dreg:s9], $0x6FFFF;
	_ =	strace $0x90000046  }
0xb5: {  	s29 =	simm.s32 $0x9;
	_ =	strace $0x80000048  }
0xb6: {  	_ =	swait.ge [sflag:s29], $0x1  }
0xb7: {  	[sflag:s29] =	ssyncadd.s32 $0xFFFFFFFF  }
0xb8: {  	_ =	strace $0x90000048  }
0xb9: {  	_ =	sfence  }
0xba: {  	s30 =	sld [smem:$0x0];
	_ =	sdelay $0x2  }
0xbb: {  	s31 =	sshll.u32 s1, $0xD;
	s1 =	sshrl.u32 s1, $0x2  }
0xbc: {  	s3 =	sand.u32 $0x4000, s31;
	s1 =	sadd.s32 s1, s30  }
0xbd: {  	s0 =	sor.u32 s3, s0;
	s1 =	sshll.u32 s1, $0x11  }
0xbe: {  	s0 =	sor.u32 s1, s0  }
0xbf: {  	s0 =	sadd.s32 $0x8F2B, s0  }
0xc0: {  	[sflag:s0] =	ssyncadd.remote.s32 $0x1  }
0xc1: {  	_ =	sfence.sel $0xFFFF  }
0xc2: {  	[dreg:$0x0] =	wrdreg $0xFFFFFFFF;
	(pc) =	sbr.abs _section_cstart, $3  }
0xc3: {  	[dreg:$0x1] =	wrdreg $0xFFFFFFFF  }
0xc4: {  	_ =	task.clear_ibuf [dreg:s9], $0x2FFFF;
	_ =	strace $0x9FFFFFFF  }
0xc5: {  	(tm) =	ssettm $0x7FFFFFFF  }
tec
execute0_lowered:
.L_overlay_start_1:
0x0: {  	(tag) =	ssettag $0x1  }
0x1: {  	s4 =	rddreg [dreg:$0x0]  }
0x2: {  	s5 =	rddreg [dreg:$0x1]  }
0x3: {  	s8 =	rddreg [dreg:$0x2];
	s1 =	simm.s32 $0x0  }
0x4: {  	[smem:$0x7FF] =	sst s1  }
0x5: {  	s0 =	rddreg [dreg:$0x3];
	s2 =	simm.s32 $0x1;
	_ =	strace $0x80000047  }
0x6: {  	[tilespmem:s1], [sflag:$0x1] =	stream.linear.gather [hbm4b:s4+s1], $0x400, $0x38;
	[tilespmem:$0x880] =	vst v63  }
0x7: {  	_ =	swait.ge [sflag:s2], $0x400  }
0x8: {  	[sflag:s2] =	ssyncset.done $0x0  }
0x9: {  	s6 =	simm.s32 $0x400;
	[sflag:s2] =	ssyncadd.s32 $0xFFFFFC00  }
0xa: {  	[tilespmem:s6], [sflag:$0x1] =	stream.linear.gather [hbm4b:s5+s1], $0x400, $0x38;
	[tilespmem:$0x880] =	vst v63  }
0xb: {  	_ =	swait.ge [sflag:s2], $0x400  }
0xc: {  	[sflag:s2] =	ssyncset.done $0x0  }
0xd: {  	[sflag:s2] =	ssyncadd.s32 $0xFFFFFC00  }
0xe: {  	v1 =	vld [tilespmem:$0x680]  }
0xf: {  	v2 =	vld [tilespmem:$0x280]  }
0x10: {  	v3 =	vld [tilespmem:$0x210]  }
0x11: {  	v4 =	vld [tilespmem:$0x600]  }
0x12: {  	v5 =	vld [tilespmem:$0x590]  }
0x13: {  	v6 =	vld [tilespmem:$0x200]  }
0x14: {  	v7 =	vld [tilespmem:$0x500]  }
0x15: {  	v8 =	vld [tilespmem:$0x190]  }
0x16: {  	v9 =	vld [tilespmem:$0x610]  }
0x17: {  	v10 =	vld [tilespmem:$0x480]  }
0x18: {  	v11 =	vld [tilespmem:$0x110]  }
0x19: {  	v12 =	vld [tilespmem:$0x100]  }
0x1a: {  	v13 =	vld [tilespmem:$0x90]  }
0x1b: {  	v14 =	vld [tilespmem:$0x10]  }
0x1c: {  	v15 =	vld [tilespmem:$0x80]  }
0x1d: {  	v16 =	vld [tilespmem:$0x400]  }
0x1e: {  	s7 =	srdreg.scid;
	v17 =	vld [tilespmem:$0x0]  }
0x1f: {  	s3 =	stileid.u32;
	s11 =	sand.u32 $0x1, s7;
	v18 =	vld [tilespmem:$0x410]  }
0x20: {  	s29 =	sshll.u32 s3, $0x2;
	s9 =	sshll.u32 s11, $0x1;
	v19 =	vld [tilespmem:$0x490]  }
0x21: {  	s10 =	sor.u32 s9, s29;
	v20 =	vld [tilespmem:$0x180]  }
0x22: {  	v0 =	vmov s10;
	v21 =	vld [tilespmem:$0x290]  }
0x23: {  	v53 =	vld [tilespmem:$0x510];
	v16 =	vadd.f32 $0.0e+00, v16;
	vm0 =	veq.s32 v15, v0;
	vm1 =	veq.s32 v17, v0  }
0x24: {  	v54 =	vld [tilespmem:$0x580];
	v18 =	vadd.f32 $0.0e+00, v18;
	vm14 =	veq.s32 v14, v0;
	vm15 =	veq.s32 v13, v0  }
0x25: {  	v55 =	vld [tilespmem:$0x300];
	vm4 =	veq.s32 v12, v0;
	v10 =	vnsel vm0, $0x0, v10;
	v16 =	vnsel vm1, $0x0, v16  }
0x26: {  	v58 =	vld [tilespmem:$0x310];
	v56 =	vnsel vm15, $0x0, v19;
	v57 =	vnsel vm14, $0x0, v18;
	v10 =	vadd.f32 v10, v16  }
0x27: {  	v60 =	vld [tilespmem:$0x380];
	vm5 =	veq.s32 v11, v0;
	v7 =	vnsel vm4, $0x0, v7;
	v59 =	vadd.f32 v56, v57  }
0x28: {  	v62 =	vld [tilespmem:$0x390];
	vm6 =	veq.s32 v20, v0;
	v61 =	vnsel vm5, $0x0, v53;
	v7 =	vadd.f32 v7, v10  }
0x29: {  	v63 =	vld [tilespmem:$0x690];
	vm7 =	veq.s32 v8, v0;
	v8 =	vnsel vm6, $0x0, v54;
	v10 =	vadd.f32 v61, v59  }
0x2a: {  	vm8 =	veq.s32 v6, v0;
	v5 =	vnsel vm7, $0x0, v5;
	v6 =	vadd.f32 v8, v7;
	v7 =	vld [tilespmem:$0x700]  }
0x2b: {  	vm9 =	veq.s32 v3, v0;
	v4 =	vnsel vm8, $0x0, v4;
	v3 =	vadd.f32 v5, v10;
	v5 =	vld [tilespmem:$0x710]  }
0x2c: {  	vm10 =	veq.s32 v2, v0;
	v2 =	vnsel vm9, $0x0, v9;
	v4 =	vadd.f32 v4, v6;
	v6 =	vld [tilespmem:$0x780]  }
0x2d: {  	vm11 =	veq.s32 v21, v0;
	v1 =	vnsel vm10, $0x0, v1;
	v2 =	vadd.f32 v2, v3;
	v3 =	vld [tilespmem:$0x790]  }
0x2e: {  	vm12 =	veq.s32 v55, v0;
	v1 =	vadd.f32 v1, v4;
	v4 =	vnsel vm11, $0x0, v63  }
0x2f: {  	vm13 =	veq.s32 v58, v0;
	v7 =	vnsel vm12, $0x0, v7;
	v2 =	vadd.f32 v4, v2  }
0x30: {  	vm14 =	veq.s32 v60, v0;
	v4 =	vnsel vm13, $0x0, v5;
	v1 =	vadd.f32 v7, v1  }
0x31: {  	vm15 =	veq.s32 v62, v0;
	v5 =	vnsel vm14, $0x0, v6;
	v2 =	vadd.f32 v4, v2  }
0x32: {  	v3 =	vnsel vm15, $0x0, v3;
	v1 =	vadd.f32 v5, v1  }
0x33: {  	v2 =	vadd.f32 v3, v2  }
0x34: {  	s11 =	ssub.s32 $0x2, s11;
	s7 =	sshll.u32 s10, $0x4;
	[tilespmem:$0x800] =	vst v1  }
0x35: {  	s12 =	sshrl.u32 s11, $0x1;
	s9 =	sadd.s32 s8, s7;
	s7 =	simm.s32 $0x800;
	[tilespmem:$0x810] =	vst v2  }
0x36: {  	[hbm4b:s9+s1] =	stream.linear.scatter [tilespmem:s7], [sflag:$0x1], $0x80, $0x38;
	[tilespmem:$0x880] =	vst v63  }
0x37: {  	s11 =	ssub.s32 s11, s12;
	_ =	swait.ge [sflag:s2], $0x80  }
0x38: {  	s11 =	smax.u32 s11, $0x1;
	[sflag:s2] =	ssyncset.done $0x0  }
0x39: {  	p0 =	sne.s32 s11, $0x1;
	[sflag:s2] =	ssyncadd.s32 $0xFFFFFF80  }
.Ltmp0:
0x3a: {  	v2 =	vld [tilespmem:$0x400];
	(pc) =	sbr.rel @!p0 .LBB2_2-.Ltmp0, $4  }
0x3b: {  	s30 =	sshll.u32 s3, $0x6;
	s10 =	sor.u32 $0x1, s10;
	v5 =	vld [tilespmem:$0x410]  }
0x3c: {  	s12 =	sand.u32 $0x380, s30;
	s13 =	sshll.u32 s10, $0x4;
	v6 =	vld [tilespmem:$0x10]  }
0x3d: {  	s8 =	sadd.s32 s8, s12;
	s31 =	sand.u32 $0x70, s13;
	v3 =	vld [tilespmem:$0x0]  }
0x3e: {  	s8 =	sadd.s32 s31, s8;
	v1 =	vmov s10;
	s10 =	sadd.s32 $0xFFFFFFFF, s11;
	v4 =	vld [tilespmem:$0x110]  }
.LBB2_1:
0x3f: {  	p0 =	sne.s32 s10, $0x1;
	s10 =	sadd.s32 $0xFFFFFFFF, s10;
	v7 =	vld [tilespmem:$0x80]  }
0x40: {  	v5 =	vadd.f32 $0.0e+00, v5;
	v8 =	vld [tilespmem:$0x510]  }
0x41: {  	vm0 =	veq.s32 v6, v1;
	v6 =	vld [tilespmem:$0x190]  }
0x42: {  	v5 =	vnsel vm0, $0x0, v5;
	v9 =	vld [tilespmem:$0x210]  }
0x43: {  	v10 =	vld [tilespmem:$0x100];
	vm1 =	veq.s32 v4, v1  }
0x44: {  	vm0 =	veq.s32 v7, v1;
	v4 =	vld [tilespmem:$0x610]  }
0x45: {  	v7 =	vnsel vm1, $0x0, v8;
	v8 =	vld [tilespmem:$0x290]  }
0x46: {  	v11 =	vld [tilespmem:$0x180];
	vm4 =	veq.s32 v6, v1  }
0x47: {  	v6 =	vld [tilespmem:$0x90];
	vm2 =	veq.s32 v9, v1  }
0x48: {  	vm1 =	veq.s32 v10, v1;
	v9 =	vld [tilespmem:$0x490]  }
0x49: {  	v4 =	vnsel vm2, $0x0, v4;
	v10 =	vld [tilespmem:$0x310]  }
0x4a: {  	v12 =	vld [tilespmem:$0x200];
	vm3 =	veq.s32 v8, v1  }
0x4b: {  	vm2 =	veq.s32 v11, v1;
	v8 =	vld [tilespmem:$0x390]  }
0x4c: {  	vm5 =	veq.s32 v6, v1;
	v6 =	vld [tilespmem:$0x590]  }
0x4d: {  	v11 =	vld [tilespmem:$0x480];
	v9 =	vnsel vm5, $0x0, v9  }
0x4e: {  	v13 =	vld [tilespmem:$0x280];
	v5 =	vadd.f32 v9, v5;
	vm5 =	veq.s32 v10, v1  }
0x4f: {  	v9 =	vld [tilespmem:$0x500];
	vm7 =	veq.s32 v12, v1  }
0x50: {  	v2 =	vadd.f32 $0.0e+00, v2;
	v5 =	vadd.f32 v7, v5;
	v7 =	vld [tilespmem:$0x690];
	vm6 =	veq.s32 v8, v1  }
0x51: {  	vm8 =	veq.s32 v3, v1;
	v3 =	vld [tilespmem:$0x580];
	v6 =	vnsel vm4, $0x0, v6  }
0x52: {  	v2 =	vnsel vm8, $0x0, v2;
	v8 =	vnsel vm0, $0x0, v11;
	v5 =	vadd.f32 v6, v5;
	v6 =	vld [tilespmem:$0x710]  }
0x53: {  	v2 =	vadd.f32 v8, v2;
	v8 =	vld [tilespmem:$0x600];
	vm0 =	veq.s32 v13, v1  }
0x54: {  	v9 =	vnsel vm1, $0x0, v9;
	v4 =	vadd.f32 v4, v5;
	v5 =	vld [tilespmem:$0x790]  }
0x55: {  	v2 =	vadd.f32 v9, v2;
	v9 =	vld [tilespmem:$0x680];
	v7 =	vnsel vm3, $0x0, v7  }
0x56: {  	v3 =	vnsel vm2, $0x0, v3;
	v10 =	vld [tilespmem:$0x300];
	v4 =	vadd.f32 v7, v4  }
0x57: {  	v2 =	vadd.f32 v3, v2;
	v3 =	vld [tilespmem:$0x700];
	v6 =	vnsel vm5, $0x0, v6  }
0x58: {  	v7 =	vnsel vm7, $0x0, v8;
	v8 =	vld [tilespmem:$0x380];
	v4 =	vadd.f32 v6, v4  }
0x59: {  	v2 =	vadd.f32 v7, v2;
	v6 =	vld [tilespmem:$0x780];
	v5 =	vnsel vm6, $0x0, v5  }
0x5a: {  	v7 =	vnsel vm0, $0x0, v9;
	v4 =	vadd.f32 v5, v4  }
0x5b: {  	v2 =	vadd.f32 v7, v2;
	vm0 =	veq.s32 v10, v1  }
0x5c: {  	v3 =	vnsel vm0, $0x0, v3;
	[tilespmem:$0x810] =	vst v4  }
0x5d: {  	v2 =	vadd.f32 v3, v2;
	vm0 =	veq.s32 v8, v1  }
0x5e: {  	v3 =	vnsel vm0, $0x0, v6  }
0x5f: {  	v2 =	vadd.f32 v3, v2;
	_ =	sdelay $0x1  }
0x60: {  	[tilespmem:$0x800] =	vst v2  }
0x61: {  	[hbm4b:s8+s1] =	stream.linear.scatter [tilespmem:s7], [sflag:$0x1], $0x80, $0x38;
	[tilespmem:$0x880] =	vst v63  }
0x62: {  	_ =	swait.ge [sflag:s2], $0x80  }
0x63: {  	[sflag:s2] =	ssyncset.done $0x0  }
0x64: {  	[sflag:s2] =	ssyncadd.s32 $0xFFFFFF80  }
0x65: {  	[tilespmem:s1], [sflag:$0x1] =	stream.linear.gather [hbm4b:s4+s1], $0x400, $0x38;
	[tilespmem:$0x880] =	vst v63  }
0x66: {  	_ =	swait.ge [sflag:s2], $0x400  }
0x67: {  	[sflag:s2] =	ssyncset.done $0x0  }
0x68: {  	[sflag:s2] =	ssyncadd.s32 $0xFFFFFC00  }
0x69: {  	[tilespmem:s6], [sflag:$0x1] =	stream.linear.gather [hbm4b:s5+s1], $0x400, $0x38;
	[tilespmem:$0x880] =	vst v63  }
0x6a: {  	_ =	swait.ge [sflag:s2], $0x400  }
0x6b: {  	[sflag:s2] =	ssyncset.done $0x0  }
0x6c: {  	[sflag:s2] =	ssyncadd.s32 $0xFFFFFC00  }
0x6d: {  	v2 =	vld [tilespmem:$0x680]  }
0x6e: {  	v3 =	vld [tilespmem:$0x280]  }
0x6f: {  	v4 =	vld [tilespmem:$0x210]  }
0x70: {  	v5 =	vld [tilespmem:$0x600]  }
0x71: {  	v6 =	vld [tilespmem:$0x590]  }
0x72: {  	v7 =	vld [tilespmem:$0x200]  }
0x73: {  	v8 =	vld [tilespmem:$0x500]  }
0x74: {  	v9 =	vld [tilespmem:$0x190]  }
0x75: {  	v10 =	vld [tilespmem:$0x610]  }
0x76: {  	v11 =	vld [tilespmem:$0x480]  }
0x77: {  	v12 =	vld [tilespmem:$0x110]  }
0x78: {  	v13 =	vld [tilespmem:$0x100]  }
0x79: {  	v14 =	vld [tilespmem:$0x90]  }
0x7a: {  	v15 =	vld [tilespmem:$0x10]  }
0x7b: {  	v16 =	vld [tilespmem:$0x80]  }
0x7c: {  	vm1 =	veq.s32 v9, v0;
	v17 =	vld [tilespmem:$0x0];
	vm0 =	veq.s32 v12, v0  }
0x7d: {  	vm3 =	veq.s32 v7, v0;
	v9 =	vld [tilespmem:$0x400];
	vm2 =	veq.s32 v13, v0  }
0x7e: {  	v6 =	vnsel vm1, $0x0, v6;
	v7 =	vld [tilespmem:$0x410]  }
0x7f: {  	v5 =	vnsel vm3, $0x0, v5;
	v12 =	vld [tilespmem:$0x490]  }
0x80: {  	vm4 =	veq.s32 v4, v0;
	vm3 =	veq.s32 v15, v0;
	vm1 =	veq.s32 v16, v0;
	v13 =	vld [tilespmem:$0x180]  }
0x81: {  	v4 =	vnsel vm1, $0x0, v11;
	vm1 =	veq.s32 v3, v0;
	v3 =	vnsel vm4, $0x0, v10;
	v10 =	vld [tilespmem:$0x290]  }
0x82: {  	vm4 =	veq.s32 v17, v0;
	v9 =	vadd.f32 $0.0e+00, v9;
	v2 =	vnsel vm1, $0x0, v2;
	v11 =	vld [tilespmem:$0x510]  }
0x83: {  	v8 =	vnsel vm2, $0x0, v8;
	vm1 =	veq.s32 v14, v0;
	v15 =	vld [tilespmem:$0x580];
	v7 =	vadd.f32 $0.0e+00, v7  }
0x84: {  	v9 =	vnsel vm4, $0x0, v9;
	v14 =	vld [tilespmem:$0x300];
	v12 =	vnsel vm1, $0x0, v12  }
0x85: {  	v4 =	vadd.f32 v4, v9;
	vm1 =	veq.s32 v13, v0;
	v7 =	vnsel vm3, $0x0, v7;
	v9 =	vld [tilespmem:$0x310]  }
0x86: {  	v13 =	vld [tilespmem:$0x380];
	v7 =	vadd.f32 v12, v7;
	vm2 =	veq.s32 v10, v0  }
0x87: {  	v4 =	vadd.f32 v8, v4;
	v8 =	vnsel vm0, $0x0, v11;
	v10 =	vld [tilespmem:$0x390]  }
0x88: {  	v11 =	vnsel vm1, $0x0, v15;
	v7 =	vadd.f32 v8, v7;
	v8 =	vld [tilespmem:$0x690]  }
0x89: {  	v4 =	vadd.f32 v11, v4;
	v11 =	vld [tilespmem:$0x700];
	vm0 =	veq.s32 v14, v0  }
0x8a: {  	v6 =	vadd.f32 v6, v7;
	v7 =	vld [tilespmem:$0x710];
	vm1 =	veq.s32 v9, v0  }
0x8b: {  	v4 =	vadd.f32 v5, v4;
	v5 =	vld [tilespmem:$0x780];
	vm3 =	veq.s32 v13, v0  }
0x8c: {  	v3 =	vadd.f32 v3, v6;
	v6 =	vld [tilespmem:$0x790];
	vm4 =	veq.s32 v10, v0  }
0x8d: {  	v2 =	vadd.f32 v2, v4;
	v4 =	vnsel vm2, $0x0, v8  }
0x8e: {  	v8 =	vnsel vm0, $0x0, v11;
	v3 =	vadd.f32 v4, v3  }
0x8f: {  	v2 =	vadd.f32 v8, v2;
	v4 =	vnsel vm1, $0x0, v7  }
0x90: {  	v5 =	vnsel vm3, $0x0, v5;
	v3 =	vadd.f32 v4, v3  }
0x91: {  	v2 =	vadd.f32 v5, v2;
	v4 =	vnsel vm4, $0x0, v6  }
0x92: {  	v3 =	vadd.f32 v4, v3  }
0x93: {  	[tilespmem:$0x800] =	vst v2  }
0x94: {  	[tilespmem:$0x810] =	vst v3  }
0x95: {  	[hbm4b:s9+s1] =	stream.linear.scatter [tilespmem:s7], [sflag:$0x1], $0x80, $0x38;
	[tilespmem:$0x880] =	vst v63  }
0x96: {  	_ =	swait.ge [sflag:s2], $0x80  }
0x97: {  	[sflag:s2] =	ssyncset.done $0x0  }
0x98: {  	[sflag:s2] =	ssyncadd.s32 $0xFFFFFF80  }
.Ltmp1:
0x99: {  	v2 =	vld [tilespmem:$0x400];
	(pc) =	sbr.rel @p0 .LBB2_1-.Ltmp1, $4  }
0x9a: {  	v5 =	vld [tilespmem:$0x410]  }
0x9b: {  	v6 =	vld [tilespmem:$0x10]  }
0x9c: {  	v3 =	vld [tilespmem:$0x0]  }
0x9d: {  	v4 =	vld [tilespmem:$0x110]  }
.LBB2_2:
0x9e: {  	v0 =	vld [tilespmem:$0x80]  }
0x9f: {  	v7 =	vld [tilespmem:$0x510]  }
0xa0: {  	v8 =	vld [tilespmem:$0x190]  }
0xa1: {  	v9 =	vld [tilespmem:$0x210]  }
0xa2: {  	v10 =	vld [tilespmem:$0x100]  }
0xa3: {  	v11 =	vld [tilespmem:$0x610]  }
0xa4: {  	v12 =	vld [tilespmem:$0x290]  }
0xa5: {  	v13 =	vld [tilespmem:$0x180]  }
0xa6: {  	v14 =	vld [tilespmem:$0x90]  }
0xa7: {  	v15 =	vld [tilespmem:$0x490]  }
0xa8: {  	v16 =	vld [tilespmem:$0x310]  }
0xa9: {  	v17 =	vld [tilespmem:$0x200]  }
0xaa: {  	v18 =	vld [tilespmem:$0x390]  }
0xab: {  	v19 =	vld [tilespmem:$0x590]  }
0xac: {  	v20 =	vld [tilespmem:$0x480]  }
0xad: {  	v21 =	vld [tilespmem:$0x280];
	v5 =	vadd.f32 $0.0e+00, v5  }
0xae: {  	v49 =	vld [tilespmem:$0x500];
	v2 =	vadd.f32 $0.0e+00, v2;
	vm0 =	veq.s32 v6, v1  }
0xaf: {  	v50 =	vld [tilespmem:$0x690];
	v5 =	vnsel vm0, $0x0, v5;
	vm15 =	veq.s32 v3, v1;
	vm1 =	veq.s32 v14, v1  }
0xb0: {  	v52 =	vld [tilespmem:$0x580];
	v2 =	vnsel vm15, $0x0, v2;
	vm14 =	veq.s32 v0, v1;
	v14 =	vnsel vm1, $0x0, v15  }
0xb1: {  	v54 =	vld [tilespmem:$0x710];
	vm4 =	veq.s32 v4, v1;
	v53 =	vnsel vm14, $0x0, v20;
	v51 =	vadd.f32 v14, v5  }
0xb2: {  	v55 =	vld [tilespmem:$0x600];
	vm5 =	veq.s32 v10, v1;
	v7 =	vnsel vm4, $0x0, v7;
	v2 =	vadd.f32 v53, v2  }
0xb3: {  	v56 =	vld [tilespmem:$0x790];
	vm6 =	veq.s32 v8, v1;
	v6 =	vnsel vm5, $0x0, v49;
	v0 =	vadd.f32 v7, v51  }
0xb4: {  	v57 =	vld [tilespmem:$0x680];
	vm7 =	veq.s32 v13, v1;
	v8 =	vnsel vm6, $0x0, v19;
	v2 =	vadd.f32 v6, v2  }
0xb5: {  	v58 =	vld [tilespmem:$0x300];
	vm8 =	veq.s32 v9, v1;
	v3 =	vnsel vm7, $0x0, v52;
	v0 =	vadd.f32 v8, v0  }
0xb6: {  	v59 =	vld [tilespmem:$0x700];
	vm9 =	veq.s32 v17, v1;
	v9 =	vnsel vm8, $0x0, v11;
	v2 =	vadd.f32 v3, v2  }
0xb7: {  	v60 =	vld [tilespmem:$0x380];
	vm10 =	veq.s32 v12, v1;
	v4 =	vnsel vm9, $0x0, v55;
	v0 =	vadd.f32 v9, v0  }
0xb8: {  	v62 =	vld [tilespmem:$0x780];
	vm11 =	veq.s32 v21, v1;
	v61 =	vnsel vm10, $0x0, v50;
	v2 =	vadd.f32 v4, v2  }
0xb9: {  	vm12 =	veq.s32 v16, v1;
	v6 =	vnsel vm11, $0x0, v57;
	v0 =	vadd.f32 v61, v0  }
0xba: {  	vm13 =	veq.s32 v58, v1;
	v5 =	vnsel vm12, $0x0, v54;
	v2 =	vadd.f32 v6, v2  }
0xbb: {  	vm14 =	veq.s32 v18, v1;
	v3 =	vnsel vm13, $0x0, v59;
	v0 =	vadd.f32 v5, v0  }
0xbc: {  	vm15 =	veq.s32 v60, v1;
	v63 =	vnsel vm14, $0x0, v56;
	v2 =	vadd.f32 v3, v2  }
0xbd: {  	v1 =	vnsel vm15, $0x0, v62;
	v0 =	vadd.f32 v63, v0  }
0xbe: {  	v1 =	vadd.f32 v1, v2  }
0xbf: {  	[tilespmem:$0x810] =	vst v0  }
0xc0: {  	[tilespmem:$0x800] =	vst v1  }
0xc1: {  	[hbm4b:s8+s1] =	stream.linear.scatter [tilespmem:s7], [sflag:$0x1], $0x80, $0x38;
	[tilespmem:$0x880] =	vst v63  }
0xc2: {  	_ =	swait.ge [sflag:s2], $0x80  }
0xc3: {  	[sflag:s2] =	ssyncset.done $0x0  }
0xc4: {  	[sflag:s2] =	ssyncadd.s32 $0xFFFFFF80  }
0xc5: {  	_ =	sfence.sel $0x180000  }
0xc6: {  	[bflag:$0x0] =	sbarrier.arrive $0xFFFF  }
0xc7: {  	p0 =	sne.s32 s3, $0x0;
	_ =	strace $0x90000047  }
0xc8: {  	s0 =	sadd.s32 @!p0 $0x100000, s0;
	[bflag:$0x2] =	sbarrier.arrive $0xFFFF  }
0xc9: {  	[sflag:s0] =	ssyncadd.tile.s32 @!p0 $0x1;
	_ =	shalt  }
.Lfunc_end2:
_tile_overlayer_lowered:
.L_overlay_start_2:
0xca: {  	(tag) =	ssettag $0x2  }
0xcb: {  	s0 =	rddreg [dreg:$0x0];
	s2 =	stileid.u32  }
0xcc: {  	s1 =	rddreg [dreg:$0x1];
	p0 =	sne.s32 s2, $0x0  }
0xcd: {  	s3 =	rddreg [dreg:$0x2];
	[bflag:$0x3] =	sbarrier.arrive $0xFFFF;
	s2 =	simm.s32 @!p0 $0x1C01  }
0xce: {  	[timem:s3], [sflag:s2] =	dma.local @!p0 [hbm:s0], s1  }
0xcf: {  	s0 =	simm.s32 @!p0 $0x1  }
0xd0: {  	_ =	swait.ge @!p0 [sflag:s0], s1  }
0xd1: {  	s1 =	ssub.s32 @!p0 $0x0, s1;
	[sflag:s0] =	ssyncset.done @!p0 $0x0  }
0xd2: {  	[sflag:s0] =	ssyncadd.s32 @!p0 s1  }
0xd3: {  	[bflag:$0x3] =	sbarrier.arrive $0xFFFF  }
0xd4: {  	_ =	shalt  }

</sc_bundles>
